<compile_context>
chip_gen: v7x
topology: tpu7x:2x2x1
jax: 0.10.2.dev20260603
libtpu: 0.0.44.dev20260713+nightly
codegen_flags: <defaults>
</compile_context>

<pallas_src>
import functools

import jax
import jax.numpy as jnp
from jax import lax
from jax.experimental import pallas as pl
from jax.experimental.pallas import tpu as pltpu
from jax.experimental.pallas import tpu_sc as plsc

NC = 2
NS = 16
L = 16
NW = NC * NS

Q = 2048
R = 32768
R_SC = 4096
R_TC = R - R_SC
QPW = Q // NW
QT = 4
NQT = QPW // QT
RV = R_SC // L
RU = 4
NRI = RV // RU

BR = 2048
NB = R_TC // BR
OFF_B = R_SC // BR

_mesh = plsc.VectorSubcoreMesh(
    core_axis_name="c", subcore_axis_name="s", num_cores=NC, num_subcores=NS
)


def _round_bf16(v):
  u = lax.bitcast_convert_type(v, jnp.uint32)
  odd = lax.shift_right_logical(u, jnp.uint32(16)) & jnp.uint32(1)
  r = (u + jnp.uint32(0x7FFF) + odd) & jnp.uint32(0xFFFF0000)
  return lax.bitcast_convert_type(r, jnp.float32)


@functools.partial(
    pl.kernel,
    out_type=jax.ShapeDtypeStruct((NW, QPW), jnp.float32),
    mesh=_mesh,
    compiler_params=pltpu.CompilerParams(needs_layout_passes=False),
    scratch_types=[
        pltpu.VMEM((QPW * 3,), jnp.float32),
        pltpu.VMEM((R_SC * 3,), jnp.float32),
        pltpu.VMEM((R_SC,), jnp.float32),
        pltpu.VMEM((R_SC,), jnp.float32),
        pltpu.VMEM((R_SC,), jnp.float32),
        pltpu.VMEM((R_SC,), jnp.float32),
        pltpu.VMEM((QPW * L,), jnp.float32),
        pltpu.VMEM((QPW,), jnp.float32),
    ],
)
def _chamfer_sc(q_hbm, r_hbm, out_hbm,
                q_v, raw_v, rx_v, ry_v, rz_v, rr_v, acc_v, sv):
  wid = lax.axis_index("c") * NS + lax.axis_index("s")

  for c in range(3):
    pltpu.sync_copy(q_hbm.at[pl.ds(c * Q + wid * QPW, QPW)],
                    q_v.at[pl.ds(c * QPW, QPW)])
  pltpu.sync_copy(r_hbm, raw_v)

  lanes = lax.iota(jnp.int32, L)
  inf16 = jnp.full((L,), jnp.inf, dtype=jnp.float32)
  zero16 = jnp.zeros((L,), dtype=jnp.int32)

  def prologue(j, carry):
    off = j * L
    rows3 = (off + lanes) * 3
    x = plsc.load_gather(raw_v, [rows3])
    y = plsc.load_gather(raw_v, [rows3 + 1])
    z = plsc.load_gather(raw_v, [rows3 + 2])
    rr_v[pl.ds(off, L)] = x * x + y * y + z * z
    rx_v[pl.ds(off, L)] = _round_bf16(x)
    ry_v[pl.ds(off, L)] = _round_bf16(y)
    rz_v[pl.ds(off, L)] = _round_bf16(z)
    return carry

  lax.fori_loop(0, RV, prologue, jnp.int32(0))

  def qtile_body(qt, carry):
    qq = []
    ax = []
    ay = []
    az = []
    for t in range(QT):
      qrow = zero16 + (qt * QT + t)
      qxv = plsc.load_gather(q_v, [qrow])
      qyv = plsc.load_gather(q_v, [qrow + QPW])
      qzv = plsc.load_gather(q_v, [qrow + 2 * QPW])
      qq.append(qxv * qxv + qyv * qyv + qzv * qzv)
      ax.append(-2.0 * _round_bf16(qxv))
      ay.append(-2.0 * _round_bf16(qyv))
      az.append(-2.0 * _round_bf16(qzv))

    def rbody(i, accs):
      accs = list(accs)
      for u in range(RU):
        base = (i * RU + u) * L
        rxv = rx_v[pl.ds(base, L)]
        ryv = ry_v[pl.ds(base, L)]
        rzv = rz_v[pl.ds(base, L)]
        rrv = rr_v[pl.ds(base, L)]
        for t in range(QT):
          d = rrv + rxv * ax[t] + ryv * ay[t] + rzv * az[t]
          accs[t] = jnp.minimum(accs[t], d)
      return tuple(accs)

    accs = lax.fori_loop(0, NRI, rbody, (inf16,) * QT)
    for t in range(QT):
      soff = (qt * QT + t) * L
      acc_v[pl.ds(soff, L)] = accs[t] + qq[t]
    return carry

  lax.fori_loop(0, NQT, qtile_body, jnp.int32(0))

  for g in range(QPW // L):
    m = None
    for j in range(L):
      col = plsc.load_gather(acc_v, [lanes * L + (g * L * L + j)])
      m = col if m is None else jnp.minimum(m, col)
    sv[pl.ds(g * L, L)] = m
  pltpu.sync_copy(sv, out_hbm.at[wid])


def _tc_body(rf_ref, qf_ref, out_ref):
  j = pl.program_id(0)

  rf = rf_ref[...]
  qf = qf_ref[...]
  rr = jnp.sum(rf * rf, axis=1, keepdims=True)
  rb = rf.astype(jnp.bfloat16)
  qb2 = qf.astype(jnp.bfloat16) * jnp.bfloat16(-2.0)
  dots = lax.dot_general(rb, qb2, (((1,), (1,)), ((), ())),
                         preferred_element_type=jnp.float32)
  m = jnp.min(dots + rr, axis=0, keepdims=True)
  qq = jnp.sum(qf * qf, axis=1)[None, :]
  mq = m + qq

  @pl.when(j == 0)
  def _():
    out_ref[...] = mq

  @pl.when(j > 0)
  def _():
    out_ref[...] = jnp.minimum(out_ref[...], mq)


_chamfer_tc = pl.pallas_call(
    _tc_body,
    grid=(NB,),
    in_specs=[
        pl.BlockSpec((BR, 3), lambda j: (j + OFF_B, 0)),
        pl.BlockSpec((Q, 3), lambda j: (0, 0)),
    ],
    out_specs=pl.BlockSpec((1, Q), lambda j: (0, 0)),
    out_shape=jax.ShapeDtypeStruct((1, Q), jnp.float32),
    compiler_params=pltpu.CompilerParams(
        dimension_semantics=("arbitrary",),
    ),
)


def kernel(query, ref):
  qt_flat = query.T.reshape(3 * Q)
  ref_sc = ref[:R_SC].reshape(R_SC * 3)
  tc_mins = _chamfer_tc(ref, query)
  sc_mins = _chamfer_sc(qt_flat, ref_sc)
  mins = jnp.minimum(sc_mins.reshape(Q), tc_mins.reshape(Q))
  return jnp.sum(mins) / jnp.float32(Q)

# --- scband reference (transcript-rebuilt; emitter-appended) ---
"""Pipeline reference for scband-chamfer-loss-75548474736998 (READ-ONLY COPY).

The authoritative reference and input builder live on the scoring server;
editing this copy changes nothing except your own understanding.
"""

import jax, jax.numpy as jnp
import numpy as np

K = 1

def setup_inputs(seed: int = 0) -> dict:
    key = jax.random.key(seed)
    k1, k2 = jax.random.split(key)
    query = jax.random.normal(k1, (2048, 3), dtype=jnp.float32)
    ref = jax.random.normal(k2, (32768, 3), dtype=jnp.float32)
    return {"query": query, "ref": ref}


def reference(query, ref):
    # brute-force K-NN: squared euclidean distances query->ref
    qq = jnp.sum(query * query, axis=1, keepdims=True)          # [Q, 1]
    rr = jnp.sum(ref * ref, axis=1)[None, :]                    # [1, R]
    d2 = qq + rr - 2.0 * (query @ ref.T)                        # [Q, R]
    neg_dist, idx = jax.lax.top_k(-d2, K)                       # K smallest distances
    dist = -neg_dist                                            # [Q, K]
    return dist.mean()

if __name__ == "__main__":
    import jax
    _d = setup_inputs()
    print(jax.jit(kernel)(*tuple(_d.values())))

</pallas_src>

<mosaic_0001>
#map = affine_map<(d0, d1) -> (0)>
#map1 = affine_map<(d0, d1) -> (0, 0)>
module attributes {stable_mosaic.version = 14 : i64} {
  func.func @_chamfer_sc(%arg0: i32, %arg1: i32, %arg2: memref<6144xf32, #tpu.memory_space<hbm>>, %arg3: memref<12288xf32, #tpu.memory_space<hbm>>, %arg4: memref<32x64xf32, #tpu.memory_space<hbm>>, %arg5: memref<192xf32, #tpu.memory_space<vmem>>, %arg6: memref<12288xf32, #tpu.memory_space<vmem>>, %arg7: memref<4096xf32, #tpu.memory_space<vmem>>, %arg8: memref<4096xf32, #tpu.memory_space<vmem>>, %arg9: memref<4096xf32, #tpu.memory_space<vmem>>, %arg10: memref<4096xf32, #tpu.memory_space<vmem>>, %arg11: memref<1024xf32, #tpu.memory_space<vmem>>, %arg12: memref<64xf32, #tpu.memory_space<vmem>>) attributes {dimension_semantics = [#tpu.dimension_semantics<core_parallel>, #tpu.dimension_semantics<subcore_parallel>], iteration_bounds = array<i64: 2, 16>, scalar_prefetch = 0 : i64, scratch_operands = 8 : i64, tpu.core_type = #tpu.core_type<sc_vector_subcore>, window_params = [{transform_indices = #map}, {transform_indices = #map}, {transform_indices = #map1}]} {
    %mul3A = arith.constant 16 : i32
    %mul3A_0 = arith.muli %arg0, %mul3A : i32
    %add3A = arith.addi %mul3A_0, %arg1 : i32
    %mul3A_1 = arith.constant 64 : i32
    %mul3A_2 = arith.muli %add3A, %mul3A_1 : i32
    %add3A_3 = arith.constant 0 : i32
    %add3A_4 = arith.addi %add3A_3, %mul3A_2 : i32
    "tpu.region"() ({
      %run_scoped3A = tpu.sem_alloc : memref<!tpu.dma_semaphore, #tpu.memory_space<semaphore_mem>>
      %dma_start3A = arith.constant 0 : i32
      %dma_start3A_540 = tpu.memref_slice %arg5[%dma_start3A] : memref<192xf32, #tpu.memory_space<vmem>> -> memref<64xf32, #tpu.memory_space<vmem>>
      %dma_start3A_541 = tpu.memref_slice %arg2[%add3A_4] : memref<6144xf32, #tpu.memory_space<hbm>> -> memref<64xf32, #tpu.memory_space<hbm>>
      %dma_start3A_542 = arith.constant 0 : i32
      %dma_start3A_543 = tpu.memref_slice %arg5[%dma_start3A_542] : memref<192xf32, #tpu.memory_space<vmem>> -> memref<64xf32, #tpu.memory_space<vmem>>
      %dma_start3A_544 = tpu.memref_slice %arg2[%add3A_4] : memref<6144xf32, #tpu.memory_space<hbm>> -> memref<64xf32, #tpu.memory_space<hbm>>
      tpu.enqueue_dma source(%dma_start3A_544 : memref<64xf32, #tpu.memory_space<hbm>>) target(%dma_start3A_543 : memref<64xf32, #tpu.memory_space<vmem>>) target_semaphore(%run_scoped3A : memref<!tpu.dma_semaphore, #tpu.memory_space<semaphore_mem>>)
      %dma_wait3A = arith.constant 0 : i32
      %dma_wait3A_545 = tpu.memref_slice %arg5[%dma_wait3A] : memref<192xf32, #tpu.memory_space<vmem>> -> memref<64xf32, #tpu.memory_space<vmem>>
      %dma_wait3A_546 = tpu.memref_slice %arg2[%add3A_4] : memref<6144xf32, #tpu.memory_space<hbm>> -> memref<64xf32, #tpu.memory_space<hbm>>
      %dma_wait3A_547 = arith.constant 0 : i32
      %dma_wait3A_548 = tpu.memref_slice %arg5[%dma_wait3A_547] : memref<192xf32, #tpu.memory_space<vmem>> -> memref<64xf32, #tpu.memory_space<vmem>>
      %dma_wait3A_549 = tpu.memref_slice %arg2[%add3A_4] : memref<6144xf32, #tpu.memory_space<hbm>> -> memref<64xf32, #tpu.memory_space<hbm>>
      tpu.wait_dma2 semaphore(%run_scoped3A : memref<!tpu.dma_semaphore, #tpu.memory_space<semaphore_mem>>) src(%dma_wait3A_549 : memref<64xf32, #tpu.memory_space<hbm>>) dst(%dma_wait3A_548 : memref<64xf32, #tpu.memory_space<vmem>>)
      tpu.yield
    }) : () -> ()
    %mul3A_5 = arith.constant 64 : i32
    %mul3A_6 = arith.muli %add3A, %mul3A_5 : i32
    %add3A_7 = arith.constant 2048 : i32
    %add3A_8 = arith.addi %add3A_7, %mul3A_6 : i32
    "tpu.region"() ({
      %run_scoped3A = tpu.sem_alloc : memref<!tpu.dma_semaphore, #tpu.memory_space<semaphore_mem>>
      %dma_start3A = arith.constant 64 : i32
      %dma_start3A_540 = tpu.memref_slice %arg5[%dma_start3A] : memref<192xf32, #tpu.memory_space<vmem>> -> memref<64xf32, #tpu.memory_space<vmem>>
      %dma_start3A_541 = tpu.memref_slice %arg2[%add3A_8] : memref<6144xf32, #tpu.memory_space<hbm>> -> memref<64xf32, #tpu.memory_space<hbm>>
      %dma_start3A_542 = arith.constant 64 : i32
      %dma_start3A_543 = tpu.memref_slice %arg5[%dma_start3A_542] : memref<192xf32, #tpu.memory_space<vmem>> -> memref<64xf32, #tpu.memory_space<vmem>>
      %dma_start3A_544 = tpu.memref_slice %arg2[%add3A_8] : memref<6144xf32, #tpu.memory_space<hbm>> -> memref<64xf32, #tpu.memory_space<hbm>>
      tpu.enqueue_dma source(%dma_start3A_544 : memref<64xf32, #tpu.memory_space<hbm>>) target(%dma_start3A_543 : memref<64xf32, #tpu.memory_space<vmem>>) target_semaphore(%run_scoped3A : memref<!tpu.dma_semaphore, #tpu.memory_space<semaphore_mem>>)
      %dma_wait3A = arith.constant 64 : i32
      %dma_wait3A_545 = tpu.memref_slice %arg5[%dma_wait3A] : memref<192xf32, #tpu.memory_space<vmem>> -> memref<64xf32, #tpu.memory_space<vmem>>
      %dma_wait3A_546 = tpu.memref_slice %arg2[%add3A_8] : memref<6144xf32, #tpu.memory_space<hbm>> -> memref<64xf32, #tpu.memory_space<hbm>>
      %dma_wait3A_547 = arith.constant 64 : i32
      %dma_wait3A_548 = tpu.memref_slice %arg5[%dma_wait3A_547] : memref<192xf32, #tpu.memory_space<vmem>> -> memref<64xf32, #tpu.memory_space<vmem>>
      %dma_wait3A_549 = tpu.memref_slice %arg2[%add3A_8] : memref<6144xf32, #tpu.memory_space<hbm>> -> memref<64xf32, #tpu.memory_space<hbm>>
      tpu.wait_dma2 semaphore(%run_scoped3A : memref<!tpu.dma_semaphore, #tpu.memory_space<semaphore_mem>>) src(%dma_wait3A_549 : memref<64xf32, #tpu.memory_space<hbm>>) dst(%dma_wait3A_548 : memref<64xf32, #tpu.memory_space<vmem>>)
      tpu.yield
    }) : () -> ()
    %mul3A_9 = arith.constant 64 : i32
    %mul3A_10 = arith.muli %add3A, %mul3A_9 : i32
    %add3A_11 = arith.constant 4096 : i32
    %add3A_12 = arith.addi %add3A_11, %mul3A_10 : i32
    "tpu.region"() ({
      %run_scoped3A = tpu.sem_alloc : memref<!tpu.dma_semaphore, #tpu.memory_space<semaphore_mem>>
      %dma_start3A = arith.constant 128 : i32
      %dma_start3A_540 = tpu.memref_slice %arg5[%dma_start3A] : memref<192xf32, #tpu.memory_space<vmem>> -> memref<64xf32, #tpu.memory_space<vmem>>
      %dma_start3A_541 = tpu.memref_slice %arg2[%add3A_12] : memref<6144xf32, #tpu.memory_space<hbm>> -> memref<64xf32, #tpu.memory_space<hbm>>
      %dma_start3A_542 = arith.constant 128 : i32
      %dma_start3A_543 = tpu.memref_slice %arg5[%dma_start3A_542] : memref<192xf32, #tpu.memory_space<vmem>> -> memref<64xf32, #tpu.memory_space<vmem>>
      %dma_start3A_544 = tpu.memref_slice %arg2[%add3A_12] : memref<6144xf32, #tpu.memory_space<hbm>> -> memref<64xf32, #tpu.memory_space<hbm>>
      tpu.enqueue_dma source(%dma_start3A_544 : memref<64xf32, #tpu.memory_space<hbm>>) target(%dma_start3A_543 : memref<64xf32, #tpu.memory_space<vmem>>) target_semaphore(%run_scoped3A : memref<!tpu.dma_semaphore, #tpu.memory_space<semaphore_mem>>)
      %dma_wait3A = arith.constant 128 : i32
      %dma_wait3A_545 = tpu.memref_slice %arg5[%dma_wait3A] : memref<192xf32, #tpu.memory_space<vmem>> -> memref<64xf32, #tpu.memory_space<vmem>>
      %dma_wait3A_546 = tpu.memref_slice %arg2[%add3A_12] : memref<6144xf32, #tpu.memory_space<hbm>> -> memref<64xf32, #tpu.memory_space<hbm>>
      %dma_wait3A_547 = arith.constant 128 : i32
      %dma_wait3A_548 = tpu.memref_slice %arg5[%dma_wait3A_547] : memref<192xf32, #tpu.memory_space<vmem>> -> memref<64xf32, #tpu.memory_space<vmem>>
      %dma_wait3A_549 = tpu.memref_slice %arg2[%add3A_12] : memref<6144xf32, #tpu.memory_space<hbm>> -> memref<64xf32, #tpu.memory_space<hbm>>
      tpu.wait_dma2 semaphore(%run_scoped3A : memref<!tpu.dma_semaphore, #tpu.memory_space<semaphore_mem>>) src(%dma_wait3A_549 : memref<64xf32, #tpu.memory_space<hbm>>) dst(%dma_wait3A_548 : memref<64xf32, #tpu.memory_space<vmem>>)
      tpu.yield
    }) : () -> ()
    "tpu.region"() ({
      %run_scoped3A = tpu.sem_alloc : memref<!tpu.dma_semaphore, #tpu.memory_space<semaphore_mem>>
      tpu.enqueue_dma source(%arg3 : memref<12288xf32, #tpu.memory_space<hbm>>) target(%arg6 : memref<12288xf32, #tpu.memory_space<vmem>>) target_semaphore(%run_scoped3A : memref<!tpu.dma_semaphore, #tpu.memory_space<semaphore_mem>>)
      tpu.wait_dma2 semaphore(%run_scoped3A : memref<!tpu.dma_semaphore, #tpu.memory_space<semaphore_mem>>) src(%arg3 : memref<12288xf32, #tpu.memory_space<hbm>>) dst(%arg6 : memref<12288xf32, #tpu.memory_space<vmem>>)
      tpu.yield
    }) : () -> ()
    %iota3A = tpu.iota {dimensions = array<i32: 0>} : vector<16xi32>
    %broadcast_in_dim3A = arith.constant 0x7F800000 : f32
    %broadcast_in_dim3A_13 = vector.broadcast %broadcast_in_dim3A : f32 to vector<16xf32>
    %broadcast_in_dim3A_14 = arith.constant 0 : i32
    %broadcast_in_dim3A_15 = vector.broadcast %broadcast_in_dim3A_14 : i32 to vector<16xi32>
    %scan3A = arith.constant 0 : i32
    %scan3A_16 = arith.constant 0 : i32
    %scan3A_17 = arith.constant 256 : i32
    %scan3A_18 = arith.addi %scan3A_16, %scan3A_17 : i32
    %scan3A_19 = arith.constant 1 : i32
    scf.for %scan3A_540 = %scan3A_16 to %scan3A_18 step %scan3A_19  : i32 {
      %mul3A_541 = arith.constant 16 : i32
      %mul3A_542 = arith.muli %scan3A_540, %mul3A_541 : i32
      %add3A_543 = vector.broadcast %mul3A_542 : i32 to vector<16xi32>
      %add3A_544 = arith.addi %add3A_543, %iota3A : vector<16xi32>
      %mul3A_545 = arith.constant 3 : i32
      %mul3A_546 = vector.broadcast %mul3A_545 : i32 to vector<16xi32>
      %mul3A_547 = arith.muli %add3A_544, %mul3A_546 : vector<16xi32>
      %gather3A_548 = tpu.vector_load_idx %arg6[%mul3A_547] : memref<12288xf32, #tpu.memory_space<vmem>>[vector<16xi32>], vector<16xf32>,
      %add3A_549 = arith.constant 1 : i32
      %add3A_550 = vector.broadcast %add3A_549 : i32 to vector<16xi32>
      %add3A_551 = arith.addi %mul3A_547, %add3A_550 : vector<16xi32>
      %gather3A_552 = tpu.vector_load_idx %arg6[%add3A_551] : memref<12288xf32, #tpu.memory_space<vmem>>[vector<16xi32>], vector<16xf32>,
      %add3A_553 = arith.constant 2 : i32
      %add3A_554 = vector.broadcast %add3A_553 : i32 to vector<16xi32>
      %add3A_555 = arith.addi %mul3A_547, %add3A_554 : vector<16xi32>
      %gather3A_556 = tpu.vector_load_idx %arg6[%add3A_555] : memref<12288xf32, #tpu.memory_space<vmem>>[vector<16xi32>], vector<16xf32>,
      %mul3A_557 = arith.mulf %gather3A_548, %gather3A_548 : vector<16xf32>
      %mul3A_558 = arith.mulf %gather3A_552, %gather3A_552 : vector<16xf32>
      %add3A_559 = arith.addf %mul3A_557, %mul3A_558 : vector<16xf32>
      %mul3A_560 = arith.mulf %gather3A_556, %gather3A_556 : vector<16xf32>
      %add3A_561 = arith.addf %add3A_559, %mul3A_560 : vector<16xf32>
      %swap3A_562 = arith.index_cast %mul3A_542 : i32 to index
      %swap3A_563 = tpu.vector_load %arg10[%swap3A_562] {strides = array<i32>} : memref<4096xf32, #tpu.memory_space<vmem>>, vector<16xf32>,
      tpu.vector_store %arg10[%swap3A_562], %add3A_561 {strides = array<i32>} : memref<4096xf32, #tpu.memory_space<vmem>>, vector<16xf32>,
      %bitcast_convert_type3A = tpu.bitcast %gather3A_548 : vector<16xf32> -> vector<16xi32>
      %shift_right_logical3A = arith.constant 16 : i32
      %shift_right_logical3A_564 = vector.broadcast %shift_right_logical3A : i32 to vector<16xi32>
      %shift_right_logical3A_565 = arith.shrui %bitcast_convert_type3A, %shift_right_logical3A_564 : vector<16xi32>
      %and3A = arith.constant 1 : i32
      %and3A_566 = vector.broadcast %and3A : i32 to vector<16xi32>
      %and3A_567 = arith.andi %shift_right_logical3A_565, %and3A_566 : vector<16xi32>
      %add3A_568 = arith.constant 32767 : i32
      %add3A_569 = vector.broadcast %add3A_568 : i32 to vector<16xi32>
      %add3A_570 = arith.addi %bitcast_convert_type3A, %add3A_569 : vector<16xi32>
      %add3A_571 = arith.addi %add3A_570, %and3A_567 : vector<16xi32>
      %and3A_572 = arith.constant -65536 : i32
      %and3A_573 = vector.broadcast %and3A_572 : i32 to vector<16xi32>
      %and3A_574 = arith.andi %add3A_571, %and3A_573 : vector<16xi32>
      %bitcast_convert_type3A_575 = tpu.bitcast %and3A_574 : vector<16xi32> -> vector<16xf32>
      %swap3A_576 = arith.index_cast %mul3A_542 : i32 to index
      %swap3A_577 = tpu.vector_load %arg7[%swap3A_576] {strides = array<i32>} : memref<4096xf32, #tpu.memory_space<vmem>>, vector<16xf32>,
      tpu.vector_store %arg7[%swap3A_576], %bitcast_convert_type3A_575 {strides = array<i32>} : memref<4096xf32, #tpu.memory_space<vmem>>, vector<16xf32>,
      %bitcast_convert_type3A_578 = tpu.bitcast %gather3A_552 : vector<16xf32> -> vector<16xi32>
      %shift_right_logical3A_579 = arith.constant 16 : i32
      %shift_right_logical3A_580 = vector.broadcast %shift_right_logical3A_579 : i32 to vector<16xi32>
      %shift_right_logical3A_581 = arith.shrui %bitcast_convert_type3A_578, %shift_right_logical3A_580 : vector<16xi32>
      %and3A_582 = arith.constant 1 : i32
      %and3A_583 = vector.broadcast %and3A_582 : i32 to vector<16xi32>
      %and3A_584 = arith.andi %shift_right_logical3A_581, %and3A_583 : vector<16xi32>
      %add3A_585 = arith.constant 32767 : i32
      %add3A_586 = vector.broadcast %add3A_585 : i32 to vector<16xi32>
      %add3A_587 = arith.addi %bitcast_convert_type3A_578, %add3A_586 : vector<16xi32>
      %add3A_588 = arith.addi %add3A_587, %and3A_584 : vector<16xi32>
      %and3A_589 = arith.constant -65536 : i32
      %and3A_590 = vector.broadcast %and3A_589 : i32 to vector<16xi32>
      %and3A_591 = arith.andi %add3A_588, %and3A_590 : vector<16xi32>
      %bitcast_convert_type3A_592 = tpu.bitcast %and3A_591 : vector<16xi32> -> vector<16xf32>
      %swap3A_593 = arith.index_cast %mul3A_542 : i32 to index
      %swap3A_594 = tpu.vector_load %arg8[%swap3A_593] {strides = array<i32>} : memref<4096xf32, #tpu.memory_space<vmem>>, vector<16xf32>,
      tpu.vector_store %arg8[%swap3A_593], %bitcast_convert_type3A_592 {strides = array<i32>} : memref<4096xf32, #tpu.memory_space<vmem>>, vector<16xf32>,
      %bitcast_convert_type3A_595 = tpu.bitcast %gather3A_556 : vector<16xf32> -> vector<16xi32>
      %shift_right_logical3A_596 = arith.constant 16 : i32
      %shift_right_logical3A_597 = vector.broadcast %shift_right_logical3A_596 : i32 to vector<16xi32>
      %shift_right_logical3A_598 = arith.shrui %bitcast_convert_type3A_595, %shift_right_logical3A_597 : vector<16xi32>
      %and3A_599 = arith.constant 1 : i32
      %and3A_600 = vector.broadcast %and3A_599 : i32 to vector<16xi32>
      %and3A_601 = arith.andi %shift_right_logical3A_598, %and3A_600 : vector<16xi32>
      %add3A_602 = arith.constant 32767 : i32
      %add3A_603 = vector.broadcast %add3A_602 : i32 to vector<16xi32>
      %add3A_604 = arith.addi %bitcast_convert_type3A_595, %add3A_603 : vector<16xi32>
      %add3A_605 = arith.addi %add3A_604, %and3A_601 : vector<16xi32>
      %and3A_606 = arith.constant -65536 : i32
      %and3A_607 = vector.broadcast %and3A_606 : i32 to vector<16xi32>
      %and3A_608 = arith.andi %add3A_605, %and3A_607 : vector<16xi32>
      %bitcast_convert_type3A_609 = tpu.bitcast %and3A_608 : vector<16xi32> -> vector<16xf32>
      %swap3A_610 = arith.index_cast %mul3A_542 : i32 to index
      %swap3A_611 = tpu.vector_load %arg9[%swap3A_610] {strides = array<i32>} : memref<4096xf32, #tpu.memory_space<vmem>>, vector<16xf32>,
      tpu.vector_store %arg9[%swap3A_610], %bitcast_convert_type3A_609 {strides = array<i32>} : memref<4096xf32, #tpu.memory_space<vmem>>, vector<16xf32>,
    }
    %scan3A_20 = arith.constant 256 : i32
    %scan3A_21 = arith.constant 0 : i32
    %scan3A_22 = arith.constant 0 : i32
    %scan3A_23 = arith.constant 16 : i32
    %scan3A_24 = arith.addi %scan3A_22, %scan3A_23 : i32
    %scan3A_25 = arith.constant 1 : i32
    scf.for %scan3A_540 = %scan3A_22 to %scan3A_24 step %scan3A_25  : i32 {
      %mul3A_541 = arith.constant 4 : i32
      %mul3A_542 = arith.muli %scan3A_540, %mul3A_541 : i32
      %add3A_543 = arith.constant 0 : i32
      %add3A_544 = arith.addi %mul3A_542, %add3A_543 : i32
      %add3A_545 = vector.broadcast %add3A_544 : i32 to vector<16xi32>
      %add3A_546 = arith.addi %broadcast_in_dim3A_15, %add3A_545 : vector<16xi32>
      %gather3A_547 = tpu.vector_load_idx %arg5[%add3A_546] : memref<192xf32, #tpu.memory_space<vmem>>[vector<16xi32>], vector<16xf32>,
      %add3A_548 = arith.constant 64 : i32
      %add3A_549 = vector.broadcast %add3A_548 : i32 to vector<16xi32>
      %add3A_550 = arith.addi %add3A_546, %add3A_549 : vector<16xi32>
      %gather3A_551 = tpu.vector_load_idx %arg5[%add3A_550] : memref<192xf32, #tpu.memory_space<vmem>>[vector<16xi32>], vector<16xf32>,
      %add3A_552 = arith.constant 128 : i32
      %add3A_553 = vector.broadcast %add3A_552 : i32 to vector<16xi32>
      %add3A_554 = arith.addi %add3A_546, %add3A_553 : vector<16xi32>
      %gather3A_555 = tpu.vector_load_idx %arg5[%add3A_554] : memref<192xf32, #tpu.memory_space<vmem>>[vector<16xi32>], vector<16xf32>,
      %mul3A_556 = arith.mulf %gather3A_547, %gather3A_547 : vector<16xf32>
      %mul3A_557 = arith.mulf %gather3A_551, %gather3A_551 : vector<16xf32>
      %add3A_558 = arith.addf %mul3A_556, %mul3A_557 : vector<16xf32>
      %mul3A_559 = arith.mulf %gather3A_555, %gather3A_555 : vector<16xf32>
      %add3A_560 = arith.addf %add3A_558, %mul3A_559 : vector<16xf32>
      %bitcast_convert_type3A = tpu.bitcast %gather3A_547 : vector<16xf32> -> vector<16xi32>
      %shift_right_logical3A = arith.constant 16 : i32
      %shift_right_logical3A_561 = vector.broadcast %shift_right_logical3A : i32 to vector<16xi32>
      %shift_right_logical3A_562 = arith.shrui %bitcast_convert_type3A, %shift_right_logical3A_561 : vector<16xi32>
      %and3A = arith.constant 1 : i32
      %and3A_563 = vector.broadcast %and3A : i32 to vector<16xi32>
      %and3A_564 = arith.andi %shift_right_logical3A_562, %and3A_563 : vector<16xi32>
      %add3A_565 = arith.constant 32767 : i32
      %add3A_566 = vector.broadcast %add3A_565 : i32 to vector<16xi32>
      %add3A_567 = arith.addi %bitcast_convert_type3A, %add3A_566 : vector<16xi32>
      %add3A_568 = arith.addi %add3A_567, %and3A_564 : vector<16xi32>
      %and3A_569 = arith.constant -65536 : i32
      %and3A_570 = vector.broadcast %and3A_569 : i32 to vector<16xi32>
      %and3A_571 = arith.andi %add3A_568, %and3A_570 : vector<16xi32>
      %bitcast_convert_type3A_572 = tpu.bitcast %and3A_571 : vector<16xi32> -> vector<16xf32>
      %mul3A_573 = arith.constant -2.000000e+00 : f32
      %mul3A_574 = vector.broadcast %mul3A_573 : f32 to vector<16xf32>
      %mul3A_575 = arith.mulf %mul3A_574, %bitcast_convert_type3A_572 : vector<16xf32>
      %bitcast_convert_type3A_576 = tpu.bitcast %gather3A_551 : vector<16xf32> -> vector<16xi32>
      %shift_right_logical3A_577 = arith.constant 16 : i32
      %shift_right_logical3A_578 = vector.broadcast %shift_right_logical3A_577 : i32 to vector<16xi32>
      %shift_right_logical3A_579 = arith.shrui %bitcast_convert_type3A_576, %shift_right_logical3A_578 : vector<16xi32>
      %and3A_580 = arith.constant 1 : i32
      %and3A_581 = vector.broadcast %and3A_580 : i32 to vector<16xi32>
      %and3A_582 = arith.andi %shift_right_logical3A_579, %and3A_581 : vector<16xi32>
      %add3A_583 = arith.constant 32767 : i32
      %add3A_584 = vector.broadcast %add3A_583 : i32 to vector<16xi32>
      %add3A_585 = arith.addi %bitcast_convert_type3A_576, %add3A_584 : vector<16xi32>
      %add3A_586 = arith.addi %add3A_585, %and3A_582 : vector<16xi32>
      %and3A_587 = arith.constant -65536 : i32
      %and3A_588 = vector.broadcast %and3A_587 : i32 to vector<16xi32>
      %and3A_589 = arith.andi %add3A_586, %and3A_588 : vector<16xi32>
      %bitcast_convert_type3A_590 = tpu.bitcast %and3A_589 : vector<16xi32> -> vector<16xf32>
      %mul3A_591 = arith.constant -2.000000e+00 : f32
      %mul3A_592 = vector.broadcast %mul3A_591 : f32 to vector<16xf32>
      %mul3A_593 = arith.mulf %mul3A_592, %bitcast_convert_type3A_590 : vector<16xf32>
      %bitcast_convert_type3A_594 = tpu.bitcast %gather3A_555 : vector<16xf32> -> vector<16xi32>
      %shift_right_logical3A_595 = arith.constant 16 : i32
      %shift_right_logical3A_596 = vector.broadcast %shift_right_logical3A_595 : i32 to vector<16xi32>
      %shift_right_logical3A_597 = arith.shrui %bitcast_convert_type3A_594, %shift_right_logical3A_596 : vector<16xi32>
      %and3A_598 = arith.constant 1 : i32
      %and3A_599 = vector.broadcast %and3A_598 : i32 to vector<16xi32>
      %and3A_600 = arith.andi %shift_right_logical3A_597, %and3A_599 : vector<16xi32>
      %add3A_601 = arith.constant 32767 : i32
      %add3A_602 = vector.broadcast %add3A_601 : i32 to vector<16xi32>
      %add3A_603 = arith.addi %bitcast_convert_type3A_594, %add3A_602 : vector<16xi32>
      %add3A_604 = arith.addi %add3A_603, %and3A_600 : vector<16xi32>
      %and3A_605 = arith.constant -65536 : i32
      %and3A_606 = vector.broadcast %and3A_605 : i32 to vector<16xi32>
      %and3A_607 = arith.andi %add3A_604, %and3A_606 : vector<16xi32>
      %bitcast_convert_type3A_608 = tpu.bitcast %and3A_607 : vector<16xi32> -> vector<16xf32>
      %mul3A_609 = arith.constant -2.000000e+00 : f32
      %mul3A_610 = vector.broadcast %mul3A_609 : f32 to vector<16xf32>
      %mul3A_611 = arith.mulf %mul3A_610, %bitcast_convert_type3A_608 : vector<16xf32>
      %mul3A_612 = arith.constant 4 : i32
      %mul3A_613 = arith.muli %scan3A_540, %mul3A_612 : i32
      %add3A_614 = arith.constant 1 : i32
      %add3A_615 = arith.addi %mul3A_613, %add3A_614 : i32
      %add3A_616 = vector.broadcast %add3A_615 : i32 to vector<16xi32>
      %add3A_617 = arith.addi %broadcast_in_dim3A_15, %add3A_616 : vector<16xi32>
      %gather3A_618 = tpu.vector_load_idx %arg5[%add3A_617] : memref<192xf32, #tpu.memory_space<vmem>>[vector<16xi32>], vector<16xf32>,
      %add3A_619 = arith.constant 64 : i32
      %add3A_620 = vector.broadcast %add3A_619 : i32 to vector<16xi32>
      %add3A_621 = arith.addi %add3A_617, %add3A_620 : vector<16xi32>
      %gather3A_622 = tpu.vector_load_idx %arg5[%add3A_621] : memref<192xf32, #tpu.memory_space<vmem>>[vector<16xi32>], vector<16xf32>,
      %add3A_623 = arith.constant 128 : i32
      %add3A_624 = vector.broadcast %add3A_623 : i32 to vector<16xi32>
      %add3A_625 = arith.addi %add3A_617, %add3A_624 : vector<16xi32>
      %gather3A_626 = tpu.vector_load_idx %arg5[%add3A_625] : memref<192xf32, #tpu.memory_space<vmem>>[vector<16xi32>], vector<16xf32>,
      %mul3A_627 = arith.mulf %gather3A_618, %gather3A_618 : vector<16xf32>
      %mul3A_628 = arith.mulf %gather3A_622, %gather3A_622 : vector<16xf32>
      %add3A_629 = arith.addf %mul3A_627, %mul3A_628 : vector<16xf32>
      %mul3A_630 = arith.mulf %gather3A_626, %gather3A_626 : vector<16xf32>
      %add3A_631 = arith.addf %add3A_629, %mul3A_630 : vector<16xf32>
      %bitcast_convert_type3A_632 = tpu.bitcast %gather3A_618 : vector<16xf32> -> vector<16xi32>
      %shift_right_logical3A_633 = arith.constant 16 : i32
      %shift_right_logical3A_634 = vector.broadcast %shift_right_logical3A_633 : i32 to vector<16xi32>
      %shift_right_logical3A_635 = arith.shrui %bitcast_convert_type3A_632, %shift_right_logical3A_634 : vector<16xi32>
      %and3A_636 = arith.constant 1 : i32
      %and3A_637 = vector.broadcast %and3A_636 : i32 to vector<16xi32>
      %and3A_638 = arith.andi %shift_right_logical3A_635, %and3A_637 : vector<16xi32>
      %add3A_639 = arith.constant 32767 : i32
      %add3A_640 = vector.broadcast %add3A_639 : i32 to vector<16xi32>
      %add3A_641 = arith.addi %bitcast_convert_type3A_632, %add3A_640 : vector<16xi32>
      %add3A_642 = arith.addi %add3A_641, %and3A_638 : vector<16xi32>
      %and3A_643 = arith.constant -65536 : i32
      %and3A_644 = vector.broadcast %and3A_643 : i32 to vector<16xi32>
      %and3A_645 = arith.andi %add3A_642, %and3A_644 : vector<16xi32>
      %bitcast_convert_type3A_646 = tpu.bitcast %and3A_645 : vector<16xi32> -> vector<16xf32>
      %mul3A_647 = arith.constant -2.000000e+00 : f32
      %mul3A_648 = vector.broadcast %mul3A_647 : f32 to vector<16xf32>
      %mul3A_649 = arith.mulf %mul3A_648, %bitcast_convert_type3A_646 : vector<16xf32>
      %bitcast_convert_type3A_650 = tpu.bitcast %gather3A_622 : vector<16xf32> -> vector<16xi32>
      %shift_right_logical3A_651 = arith.constant 16 : i32
      %shift_right_logical3A_652 = vector.broadcast %shift_right_logical3A_651 : i32 to vector<16xi32>
      %shift_right_logical3A_653 = arith.shrui %bitcast_convert_type3A_650, %shift_right_logical3A_652 : vector<16xi32>
      %and3A_654 = arith.constant 1 : i32
      %and3A_655 = vector.broadcast %and3A_654 : i32 to vector<16xi32>
      %and3A_656 = arith.andi %shift_right_logical3A_653, %and3A_655 : vector<16xi32>
      %add3A_657 = arith.constant 32767 : i32
      %add3A_658 = vector.broadcast %add3A_657 : i32 to vector<16xi32>
      %add3A_659 = arith.addi %bitcast_convert_type3A_650, %add3A_658 : vector<16xi32>
      %add3A_660 = arith.addi %add3A_659, %and3A_656 : vector<16xi32>
      %and3A_661 = arith.constant -65536 : i32
      %and3A_662 = vector.broadcast %and3A_661 : i32 to vector<16xi32>
      %and3A_663 = arith.andi %add3A_660, %and3A_662 : vector<16xi32>
      %bitcast_convert_type3A_664 = tpu.bitcast %and3A_663 : vector<16xi32> -> vector<16xf32>
      %mul3A_665 = arith.constant -2.000000e+00 : f32
      %mul3A_666 = vector.broadcast %mul3A_665 : f32 to vector<16xf32>
      %mul3A_667 = arith.mulf %mul3A_666, %bitcast_convert_type3A_664 : vector<16xf32>
      %bitcast_convert_type3A_668 = tpu.bitcast %gather3A_626 : vector<16xf32> -> vector<16xi32>
      %shift_right_logical3A_669 = arith.constant 16 : i32
      %shift_right_logical3A_670 = vector.broadcast %shift_right_logical3A_669 : i32 to vector<16xi32>
      %shift_right_logical3A_671 = arith.shrui %bitcast_convert_type3A_668, %shift_right_logical3A_670 : vector<16xi32>
      %and3A_672 = arith.constant 1 : i32
      %and3A_673 = vector.broadcast %and3A_672 : i32 to vector<16xi32>
      %and3A_674 = arith.andi %shift_right_logical3A_671, %and3A_673 : vector<16xi32>
      %add3A_675 = arith.constant 32767 : i32
      %add3A_676 = vector.broadcast %add3A_675 : i32 to vector<16xi32>
      %add3A_677 = arith.addi %bitcast_convert_type3A_668, %add3A_676 : vector<16xi32>
      %add3A_678 = arith.addi %add3A_677, %and3A_674 : vector<16xi32>
      %and3A_679 = arith.constant -65536 : i32
      %and3A_680 = vector.broadcast %and3A_679 : i32 to vector<16xi32>
      %and3A_681 = arith.andi %add3A_678, %and3A_680 : vector<16xi32>
      %bitcast_convert_type3A_682 = tpu.bitcast %and3A_681 : vector<16xi32> -> vector<16xf32>
      %mul3A_683 = arith.constant -2.000000e+00 : f32
      %mul3A_684 = vector.broadcast %mul3A_683 : f32 to vector<16xf32>
      %mul3A_685 = arith.mulf %mul3A_684, %bitcast_convert_type3A_682 : vector<16xf32>
      %mul3A_686 = arith.constant 4 : i32
      %mul3A_687 = arith.muli %scan3A_540, %mul3A_686 : i32
      %add3A_688 = arith.constant 2 : i32
      %add3A_689 = arith.addi %mul3A_687, %add3A_688 : i32
      %add3A_690 = vector.broadcast %add3A_689 : i32 to vector<16xi32>
      %add3A_691 = arith.addi %broadcast_in_dim3A_15, %add3A_690 : vector<16xi32>
      %gather3A_692 = tpu.vector_load_idx %arg5[%add3A_691] : memref<192xf32, #tpu.memory_space<vmem>>[vector<16xi32>], vector<16xf32>,
      %add3A_693 = arith.constant 64 : i32
      %add3A_694 = vector.broadcast %add3A_693 : i32 to vector<16xi32>
      %add3A_695 = arith.addi %add3A_691, %add3A_694 : vector<16xi32>
      %gather3A_696 = tpu.vector_load_idx %arg5[%add3A_695] : memref<192xf32, #tpu.memory_space<vmem>>[vector<16xi32>], vector<16xf32>,
      %add3A_697 = arith.constant 128 : i32
      %add3A_698 = vector.broadcast %add3A_697 : i32 to vector<16xi32>
      %add3A_699 = arith.addi %add3A_691, %add3A_698 : vector<16xi32>
      %gather3A_700 = tpu.vector_load_idx %arg5[%add3A_699] : memref<192xf32, #tpu.memory_space<vmem>>[vector<16xi32>], vector<16xf32>,
      %mul3A_701 = arith.mulf %gather3A_692, %gather3A_692 : vector<16xf32>
      %mul3A_702 = arith.mulf %gather3A_696, %gather3A_696 : vector<16xf32>
      %add3A_703 = arith.addf %mul3A_701, %mul3A_702 : vector<16xf32>
      %mul3A_704 = arith.mulf %gather3A_700, %gather3A_700 : vector<16xf32>
      %add3A_705 = arith.addf %add3A_703, %mul3A_704 : vector<16xf32>
      %bitcast_convert_type3A_706 = tpu.bitcast %gather3A_692 : vector<16xf32> -> vector<16xi32>
      %shift_right_logical3A_707 = arith.constant 16 : i32
      %shift_right_logical3A_708 = vector.broadcast %shift_right_logical3A_707 : i32 to vector<16xi32>
      %shift_right_logical3A_709 = arith.shrui %bitcast_convert_type3A_706, %shift_right_logical3A_708 : vector<16xi32>
      %and3A_710 = arith.constant 1 : i32
      %and3A_711 = vector.broadcast %and3A_710 : i32 to vector<16xi32>
      %and3A_712 = arith.andi %shift_right_logical3A_709, %and3A_711 : vector<16xi32>
      %add3A_713 = arith.constant 32767 : i32
      %add3A_714 = vector.broadcast %add3A_713 : i32 to vector<16xi32>
      %add3A_715 = arith.addi %bitcast_convert_type3A_706, %add3A_714 : vector<16xi32>
      %add3A_716 = arith.addi %add3A_715, %and3A_712 : vector<16xi32>
      %and3A_717 = arith.constant -65536 : i32
      %and3A_718 = vector.broadcast %and3A_717 : i32 to vector<16xi32>
      %and3A_719 = arith.andi %add3A_716, %and3A_718 : vector<16xi32>
      %bitcast_convert_type3A_720 = tpu.bitcast %and3A_719 : vector<16xi32> -> vector<16xf32>
      %mul3A_721 = arith.constant -2.000000e+00 : f32
      %mul3A_722 = vector.broadcast %mul3A_721 : f32 to vector<16xf32>
      %mul3A_723 = arith.mulf %mul3A_722, %bitcast_convert_type3A_720 : vector<16xf32>
      %bitcast_convert_type3A_724 = tpu.bitcast %gather3A_696 : vector<16xf32> -> vector<16xi32>
      %shift_right_logical3A_725 = arith.constant 16 : i32
      %shift_right_logical3A_726 = vector.broadcast %shift_right_logical3A_725 : i32 to vector<16xi32>
      %shift_right_logical3A_727 = arith.shrui %bitcast_convert_type3A_724, %shift_right_logical3A_726 : vector<16xi32>
      %and3A_728 = arith.constant 1 : i32
      %and3A_729 = vector.broadcast %and3A_728 : i32 to vector<16xi32>
      %and3A_730 = arith.andi %shift_right_logical3A_727, %and3A_729 : vector<16xi32>
      %add3A_731 = arith.constant 32767 : i32
      %add3A_732 = vector.broadcast %add3A_731 : i32 to vector<16xi32>
      %add3A_733 = arith.addi %bitcast_convert_type3A_724, %add3A_732 : vector<16xi32>
      %add3A_734 = arith.addi %add3A_733, %and3A_730 : vector<16xi32>
      %and3A_735 = arith.constant -65536 : i32
      %and3A_736 = vector.broadcast %and3A_735 : i32 to vector<16xi32>
      %and3A_737 = arith.andi %add3A_734, %and3A_736 : vector<16xi32>
      %bitcast_convert_type3A_738 = tpu.bitcast %and3A_737 : vector<16xi32> -> vector<16xf32>
      %mul3A_739 = arith.constant -2.000000e+00 : f32
      %mul3A_740 = vector.broadcast %mul3A_739 : f32 to vector<16xf32>
      %mul3A_741 = arith.mulf %mul3A_740, %bitcast_convert_type3A_738 : vector<16xf32>
      %bitcast_convert_type3A_742 = tpu.bitcast %gather3A_700 : vector<16xf32> -> vector<16xi32>
      %shift_right_logical3A_743 = arith.constant 16 : i32
      %shift_right_logical3A_744 = vector.broadcast %shift_right_logical3A_743 : i32 to vector<16xi32>
      %shift_right_logical3A_745 = arith.shrui %bitcast_convert_type3A_742, %shift_right_logical3A_744 : vector<16xi32>
      %and3A_746 = arith.constant 1 : i32
      %and3A_747 = vector.broadcast %and3A_746 : i32 to vector<16xi32>
      %and3A_748 = arith.andi %shift_right_logical3A_745, %and3A_747 : vector<16xi32>
      %add3A_749 = arith.constant 32767 : i32
      %add3A_750 = vector.broadcast %add3A_749 : i32 to vector<16xi32>
      %add3A_751 = arith.addi %bitcast_convert_type3A_742, %add3A_750 : vector<16xi32>
      %add3A_752 = arith.addi %add3A_751, %and3A_748 : vector<16xi32>
      %and3A_753 = arith.constant -65536 : i32
      %and3A_754 = vector.broadcast %and3A_753 : i32 to vector<16xi32>
      %and3A_755 = arith.andi %add3A_752, %and3A_754 : vector<16xi32>
      %bitcast_convert_type3A_756 = tpu.bitcast %and3A_755 : vector<16xi32> -> vector<16xf32>
      %mul3A_757 = arith.constant -2.000000e+00 : f32
      %mul3A_758 = vector.broadcast %mul3A_757 : f32 to vector<16xf32>
      %mul3A_759 = arith.mulf %mul3A_758, %bitcast_convert_type3A_756 : vector<16xf32>
      %mul3A_760 = arith.constant 4 : i32
      %mul3A_761 = arith.muli %scan3A_540, %mul3A_760 : i32
      %add3A_762 = arith.constant 3 : i32
      %add3A_763 = arith.addi %mul3A_761, %add3A_762 : i32
      %add3A_764 = vector.broadcast %add3A_763 : i32 to vector<16xi32>
      %add3A_765 = arith.addi %broadcast_in_dim3A_15, %add3A_764 : vector<16xi32>
      %gather3A_766 = tpu.vector_load_idx %arg5[%add3A_765] : memref<192xf32, #tpu.memory_space<vmem>>[vector<16xi32>], vector<16xf32>,
      %add3A_767 = arith.constant 64 : i32
      %add3A_768 = vector.broadcast %add3A_767 : i32 to vector<16xi32>
      %add3A_769 = arith.addi %add3A_765, %add3A_768 : vector<16xi32>
      %gather3A_770 = tpu.vector_load_idx %arg5[%add3A_769] : memref<192xf32, #tpu.memory_space<vmem>>[vector<16xi32>], vector<16xf32>,
      %add3A_771 = arith.constant 128 : i32
      %add3A_772 = vector.broadcast %add3A_771 : i32 to vector<16xi32>
      %add3A_773 = arith.addi %add3A_765, %add3A_772 : vector<16xi32>
      %gather3A_774 = tpu.vector_load_idx %arg5[%add3A_773] : memref<192xf32, #tpu.memory_space<vmem>>[vector<16xi32>], vector<16xf32>,
      %mul3A_775 = arith.mulf %gather3A_766, %gather3A_766 : vector<16xf32>
      %mul3A_776 = arith.mulf %gather3A_770, %gather3A_770 : vector<16xf32>
      %add3A_777 = arith.addf %mul3A_775, %mul3A_776 : vector<16xf32>
      %mul3A_778 = arith.mulf %gather3A_774, %gather3A_774 : vector<16xf32>
      %add3A_779 = arith.addf %add3A_777, %mul3A_778 : vector<16xf32>
      %bitcast_convert_type3A_780 = tpu.bitcast %gather3A_766 : vector<16xf32> -> vector<16xi32>
      %shift_right_logical3A_781 = arith.constant 16 : i32
      %shift_right_logical3A_782 = vector.broadcast %shift_right_logical3A_781 : i32 to vector<16xi32>
      %shift_right_logical3A_783 = arith.shrui %bitcast_convert_type3A_780, %shift_right_logical3A_782 : vector<16xi32>
      %and3A_784 = arith.constant 1 : i32
      %and3A_785 = vector.broadcast %and3A_784 : i32 to vector<16xi32>
      %and3A_786 = arith.andi %shift_right_logical3A_783, %and3A_785 : vector<16xi32>
      %add3A_787 = arith.constant 32767 : i32
      %add3A_788 = vector.broadcast %add3A_787 : i32 to vector<16xi32>
      %add3A_789 = arith.addi %bitcast_convert_type3A_780, %add3A_788 : vector<16xi32>
      %add3A_790 = arith.addi %add3A_789, %and3A_786 : vector<16xi32>
      %and3A_791 = arith.constant -65536 : i32
      %and3A_792 = vector.broadcast %and3A_791 : i32 to vector<16xi32>
      %and3A_793 = arith.andi %add3A_790, %and3A_792 : vector<16xi32>
      %bitcast_convert_type3A_794 = tpu.bitcast %and3A_793 : vector<16xi32> -> vector<16xf32>
      %mul3A_795 = arith.constant -2.000000e+00 : f32
      %mul3A_796 = vector.broadcast %mul3A_795 : f32 to vector<16xf32>
      %mul3A_797 = arith.mulf %mul3A_796, %bitcast_convert_type3A_794 : vector<16xf32>
      %bitcast_convert_type3A_798 = tpu.bitcast %gather3A_770 : vector<16xf32> -> vector<16xi32>
      %shift_right_logical3A_799 = arith.constant 16 : i32
      %shift_right_logical3A_800 = vector.broadcast %shift_right_logical3A_799 : i32 to vector<16xi32>
      %shift_right_logical3A_801 = arith.shrui %bitcast_convert_type3A_798, %shift_right_logical3A_800 : vector<16xi32>
      %and3A_802 = arith.constant 1 : i32
      %and3A_803 = vector.broadcast %and3A_802 : i32 to vector<16xi32>
      %and3A_804 = arith.andi %shift_right_logical3A_801, %and3A_803 : vector<16xi32>
      %add3A_805 = arith.constant 32767 : i32
      %add3A_806 = vector.broadcast %add3A_805 : i32 to vector<16xi32>
      %add3A_807 = arith.addi %bitcast_convert_type3A_798, %add3A_806 : vector<16xi32>
      %add3A_808 = arith.addi %add3A_807, %and3A_804 : vector<16xi32>
      %and3A_809 = arith.constant -65536 : i32
      %and3A_810 = vector.broadcast %and3A_809 : i32 to vector<16xi32>
      %and3A_811 = arith.andi %add3A_808, %and3A_810 : vector<16xi32>
      %bitcast_convert_type3A_812 = tpu.bitcast %and3A_811 : vector<16xi32> -> vector<16xf32>
      %mul3A_813 = arith.constant -2.000000e+00 : f32
      %mul3A_814 = vector.broadcast %mul3A_813 : f32 to vector<16xf32>
      %mul3A_815 = arith.mulf %mul3A_814, %bitcast_convert_type3A_812 : vector<16xf32>
      %bitcast_convert_type3A_816 = tpu.bitcast %gather3A_774 : vector<16xf32> -> vector<16xi32>
      %shift_right_logical3A_817 = arith.constant 16 : i32
      %shift_right_logical3A_818 = vector.broadcast %shift_right_logical3A_817 : i32 to vector<16xi32>
      %shift_right_logical3A_819 = arith.shrui %bitcast_convert_type3A_816, %shift_right_logical3A_818 : vector<16xi32>
      %and3A_820 = arith.constant 1 : i32
      %and3A_821 = vector.broadcast %and3A_820 : i32 to vector<16xi32>
      %and3A_822 = arith.andi %shift_right_logical3A_819, %and3A_821 : vector<16xi32>
      %add3A_823 = arith.constant 32767 : i32
      %add3A_824 = vector.broadcast %add3A_823 : i32 to vector<16xi32>
      %add3A_825 = arith.addi %bitcast_convert_type3A_816, %add3A_824 : vector<16xi32>
      %add3A_826 = arith.addi %add3A_825, %and3A_822 : vector<16xi32>
      %and3A_827 = arith.constant -65536 : i32
      %and3A_828 = vector.broadcast %and3A_827 : i32 to vector<16xi32>
      %and3A_829 = arith.andi %add3A_826, %and3A_828 : vector<16xi32>
      %bitcast_convert_type3A_830 = tpu.bitcast %and3A_829 : vector<16xi32> -> vector<16xf32>
      %mul3A_831 = arith.constant -2.000000e+00 : f32
      %mul3A_832 = vector.broadcast %mul3A_831 : f32 to vector<16xf32>
      %mul3A_833 = arith.mulf %mul3A_832, %bitcast_convert_type3A_830 : vector<16xf32>
      %scan3A_834 = arith.constant 0 : i32
      %scan3A_835 = arith.constant 64 : i32
      %scan3A_836 = arith.addi %scan3A_834, %scan3A_835 : i32
      %scan3A_837 = arith.constant 1 : i32
      %scan3A_838:4 = scf.for %scan3A_876 = %scan3A_834 to %scan3A_836 step %scan3A_837 iter_args(%scan3A_877 = %broadcast_in_dim3A_13, %scan3A_878 = %broadcast_in_dim3A_13, %scan3A_879 = %broadcast_in_dim3A_13, %scan3A_880 = %broadcast_in_dim3A_13) -> (vector<16xf32>, vector<16xf32>, vector<16xf32>, vector<16xf32>)  : i32 {
        %mul3A_881 = arith.constant 4 : i32
        %mul3A_882 = arith.muli %scan3A_876, %mul3A_881 : i32
        %add3A_883 = arith.constant 0 : i32
        %add3A_884 = arith.addi %mul3A_882, %add3A_883 : i32
        %mul3A_885 = arith.constant 16 : i32
        %mul3A_886 = arith.muli %add3A_884, %mul3A_885 : i32
        %get3A = arith.index_cast %mul3A_886 : i32 to index
        %get3A_887 = tpu.vector_load %arg7[%get3A] {strides = array<i32>} : memref<4096xf32, #tpu.memory_space<vmem>>, vector<16xf32>,
        %get3A_888 = arith.index_cast %mul3A_886 : i32 to index
        %get3A_889 = tpu.vector_load %arg8[%get3A_888] {strides = array<i32>} : memref<4096xf32, #tpu.memory_space<vmem>>, vector<16xf32>,
        %get3A_890 = arith.index_cast %mul3A_886 : i32 to index
        %get3A_891 = tpu.vector_load %arg9[%get3A_890] {strides = array<i32>} : memref<4096xf32, #tpu.memory_space<vmem>>, vector<16xf32>,
        %get3A_892 = arith.index_cast %mul3A_886 : i32 to index
        %get3A_893 = tpu.vector_load %arg10[%get3A_892] {strides = array<i32>} : memref<4096xf32, #tpu.memory_space<vmem>>, vector<16xf32>,
        %mul3A_894 = arith.mulf %get3A_887, %mul3A_575 : vector<16xf32>
        %add3A_895 = arith.addf %get3A_893, %mul3A_894 : vector<16xf32>
        %mul3A_896 = arith.mulf %get3A_889, %mul3A_593 : vector<16xf32>
        %add3A_897 = arith.addf %add3A_895, %mul3A_896 : vector<16xf32>
        %mul3A_898 = arith.mulf %get3A_891, %mul3A_611 : vector<16xf32>
        %add3A_899 = arith.addf %add3A_897, %mul3A_898 : vector<16xf32>
        %min3A_900 = arith.minimumf %scan3A_877, %add3A_899 : vector<16xf32>
        %mul3A_901 = arith.mulf %get3A_887, %mul3A_649 : vector<16xf32>
        %add3A_902 = arith.addf %get3A_893, %mul3A_901 : vector<16xf32>
        %mul3A_903 = arith.mulf %get3A_889, %mul3A_667 : vector<16xf32>
        %add3A_904 = arith.addf %add3A_902, %mul3A_903 : vector<16xf32>
        %mul3A_905 = arith.mulf %get3A_891, %mul3A_685 : vector<16xf32>
        %add3A_906 = arith.addf %add3A_904, %mul3A_905 : vector<16xf32>
        %min3A_907 = arith.minimumf %scan3A_878, %add3A_906 : vector<16xf32>
        %mul3A_908 = arith.mulf %get3A_887, %mul3A_723 : vector<16xf32>
        %add3A_909 = arith.addf %get3A_893, %mul3A_908 : vector<16xf32>
        %mul3A_910 = arith.mulf %get3A_889, %mul3A_741 : vector<16xf32>
        %add3A_911 = arith.addf %add3A_909, %mul3A_910 : vector<16xf32>
        %mul3A_912 = arith.mulf %get3A_891, %mul3A_759 : vector<16xf32>
        %add3A_913 = arith.addf %add3A_911, %mul3A_912 : vector<16xf32>
        %min3A_914 = arith.minimumf %scan3A_879, %add3A_913 : vector<16xf32>
        %mul3A_915 = arith.mulf %get3A_887, %mul3A_797 : vector<16xf32>
        %add3A_916 = arith.addf %get3A_893, %mul3A_915 : vector<16xf32>
        %mul3A_917 = arith.mulf %get3A_889, %mul3A_815 : vector<16xf32>
        %add3A_918 = arith.addf %add3A_916, %mul3A_917 : vector<16xf32>
        %mul3A_919 = arith.mulf %get3A_891, %mul3A_833 : vector<16xf32>
        %add3A_920 = arith.addf %add3A_918, %mul3A_919 : vector<16xf32>
        %min3A_921 = arith.minimumf %scan3A_880, %add3A_920 : vector<16xf32>
        %mul3A_922 = arith.constant 4 : i32
        %mul3A_923 = arith.muli %scan3A_876, %mul3A_922 : i32
        %add3A_924 = arith.constant 1 : i32
        %add3A_925 = arith.addi %mul3A_923, %add3A_924 : i32
        %mul3A_926 = arith.constant 16 : i32
        %mul3A_927 = arith.muli %add3A_925, %mul3A_926 : i32
        %get3A_928 = arith.index_cast %mul3A_927 : i32 to index
        %get3A_929 = tpu.vector_load %arg7[%get3A_928] {strides = array<i32>} : memref<4096xf32, #tpu.memory_space<vmem>>, vector<16xf32>,
        %get3A_930 = arith.index_cast %mul3A_927 : i32 to index
        %get3A_931 = tpu.vector_load %arg8[%get3A_930] {strides = array<i32>} : memref<4096xf32, #tpu.memory_space<vmem>>, vector<16xf32>,
        %get3A_932 = arith.index_cast %mul3A_927 : i32 to index
        %get3A_933 = tpu.vector_load %arg9[%get3A_932] {strides = array<i32>} : memref<4096xf32, #tpu.memory_space<vmem>>, vector<16xf32>,
        %get3A_934 = arith.index_cast %mul3A_927 : i32 to index
        %get3A_935 = tpu.vector_load %arg10[%get3A_934] {strides = array<i32>} : memref<4096xf32, #tpu.memory_space<vmem>>, vector<16xf32>,
        %mul3A_936 = arith.mulf %get3A_929, %mul3A_575 : vector<16xf32>
        %add3A_937 = arith.addf %get3A_935, %mul3A_936 : vector<16xf32>
        %mul3A_938 = arith.mulf %get3A_931, %mul3A_593 : vector<16xf32>
        %add3A_939 = arith.addf %add3A_937, %mul3A_938 : vector<16xf32>
        %mul3A_940 = arith.mulf %get3A_933, %mul3A_611 : vector<16xf32>
        %add3A_941 = arith.addf %add3A_939, %mul3A_940 : vector<16xf32>
        %min3A_942 = arith.minimumf %min3A_900, %add3A_941 : vector<16xf32>
        %mul3A_943 = arith.mulf %get3A_929, %mul3A_649 : vector<16xf32>
        %add3A_944 = arith.addf %get3A_935, %mul3A_943 : vector<16xf32>
        %mul3A_945 = arith.mulf %get3A_931, %mul3A_667 : vector<16xf32>
        %add3A_946 = arith.addf %add3A_944, %mul3A_945 : vector<16xf32>
        %mul3A_947 = arith.mulf %get3A_933, %mul3A_685 : vector<16xf32>
        %add3A_948 = arith.addf %add3A_946, %mul3A_947 : vector<16xf32>
        %min3A_949 = arith.minimumf %min3A_907, %add3A_948 : vector<16xf32>
        %mul3A_950 = arith.mulf %get3A_929, %mul3A_723 : vector<16xf32>
        %add3A_951 = arith.addf %get3A_935, %mul3A_950 : vector<16xf32>
        %mul3A_952 = arith.mulf %get3A_931, %mul3A_741 : vector<16xf32>
        %add3A_953 = arith.addf %add3A_951, %mul3A_952 : vector<16xf32>
        %mul3A_954 = arith.mulf %get3A_933, %mul3A_759 : vector<16xf32>
        %add3A_955 = arith.addf %add3A_953, %mul3A_954 : vector<16xf32>
        %min3A_956 = arith.minimumf %min3A_914, %add3A_955 : vector<16xf32>
        %mul3A_957 = arith.mulf %get3A_929, %mul3A_797 : vector<16xf32>
        %add3A_958 = arith.addf %get3A_935, %mul3A_957 : vector<16xf32>
        %mul3A_959 = arith.mulf %get3A_931, %mul3A_815 : vector<16xf32>
        %add3A_960 = arith.addf %add3A_958, %mul3A_959 : vector<16xf32>
        %mul3A_961 = arith.mulf %get3A_933, %mul3A_833 : vector<16xf32>
        %add3A_962 = arith.addf %add3A_960, %mul3A_961 : vector<16xf32>
        %min3A_963 = arith.minimumf %min3A_921, %add3A_962 : vector<16xf32>
        %mul3A_964 = arith.constant 4 : i32
        %mul3A_965 = arith.muli %scan3A_876, %mul3A_964 : i32
        %add3A_966 = arith.constant 2 : i32
        %add3A_967 = arith.addi %mul3A_965, %add3A_966 : i32
        %mul3A_968 = arith.constant 16 : i32
        %mul3A_969 = arith.muli %add3A_967, %mul3A_968 : i32
        %get3A_970 = arith.index_cast %mul3A_969 : i32 to index
        %get3A_971 = tpu.vector_load %arg7[%get3A_970] {strides = array<i32>} : memref<4096xf32, #tpu.memory_space<vmem>>, vector<16xf32>,
        %get3A_972 = arith.index_cast %mul3A_969 : i32 to index
        %get3A_973 = tpu.vector_load %arg8[%get3A_972] {strides = array<i32>} : memref<4096xf32, #tpu.memory_space<vmem>>, vector<16xf32>,
        %get3A_974 = arith.index_cast %mul3A_969 : i32 to index
        %get3A_975 = tpu.vector_load %arg9[%get3A_974] {strides = array<i32>} : memref<4096xf32, #tpu.memory_space<vmem>>, vector<16xf32>,
        %get3A_976 = arith.index_cast %mul3A_969 : i32 to index
        %get3A_977 = tpu.vector_load %arg10[%get3A_976] {strides = array<i32>} : memref<4096xf32, #tpu.memory_space<vmem>>, vector<16xf32>,
        %mul3A_978 = arith.mulf %get3A_971, %mul3A_575 : vector<16xf32>
        %add3A_979 = arith.addf %get3A_977, %mul3A_978 : vector<16xf32>
        %mul3A_980 = arith.mulf %get3A_973, %mul3A_593 : vector<16xf32>
        %add3A_981 = arith.addf %add3A_979, %mul3A_980 : vector<16xf32>
        %mul3A_982 = arith.mulf %get3A_975, %mul3A_611 : vector<16xf32>
        %add3A_983 = arith.addf %add3A_981, %mul3A_982 : vector<16xf32>
        %min3A_984 = arith.minimumf %min3A_942, %add3A_983 : vector<16xf32>
        %mul3A_985 = arith.mulf %get3A_971, %mul3A_649 : vector<16xf32>
        %add3A_986 = arith.addf %get3A_977, %mul3A_985 : vector<16xf32>
        %mul3A_987 = arith.mulf %get3A_973, %mul3A_667 : vector<16xf32>
        %add3A_988 = arith.addf %add3A_986, %mul3A_987 : vector<16xf32>
        %mul3A_989 = arith.mulf %get3A_975, %mul3A_685 : vector<16xf32>
        %add3A_990 = arith.addf %add3A_988, %mul3A_989 : vector<16xf32>
        %min3A_991 = arith.minimumf %min3A_949, %add3A_990 : vector<16xf32>
        %mul3A_992 = arith.mulf %get3A_971, %mul3A_723 : vector<16xf32>
        %add3A_993 = arith.addf %get3A_977, %mul3A_992 : vector<16xf32>
        %mul3A_994 = arith.mulf %get3A_973, %mul3A_741 : vector<16xf32>
        %add3A_995 = arith.addf %add3A_993, %mul3A_994 : vector<16xf32>
        %mul3A_996 = arith.mulf %get3A_975, %mul3A_759 : vector<16xf32>
        %add3A_997 = arith.addf %add3A_995, %mul3A_996 : vector<16xf32>
        %min3A_998 = arith.minimumf %min3A_956, %add3A_997 : vector<16xf32>
        %mul3A_999 = arith.mulf %get3A_971, %mul3A_797 : vector<16xf32>
        %add3A_1000 = arith.addf %get3A_977, %mul3A_999 : vector<16xf32>
        %mul3A_1001 = arith.mulf %get3A_973, %mul3A_815 : vector<16xf32>
        %add3A_1002 = arith.addf %add3A_1000, %mul3A_1001 : vector<16xf32>
        %mul3A_1003 = arith.mulf %get3A_975, %mul3A_833 : vector<16xf32>
        %add3A_1004 = arith.addf %add3A_1002, %mul3A_1003 : vector<16xf32>
        %min3A_1005 = arith.minimumf %min3A_963, %add3A_1004 : vector<16xf32>
        %mul3A_1006 = arith.constant 4 : i32
        %mul3A_1007 = arith.muli %scan3A_876, %mul3A_1006 : i32
        %add3A_1008 = arith.constant 3 : i32
        %add3A_1009 = arith.addi %mul3A_1007, %add3A_1008 : i32
        %mul3A_1010 = arith.constant 16 : i32
        %mul3A_1011 = arith.muli %add3A_1009, %mul3A_1010 : i32
        %get3A_1012 = arith.index_cast %mul3A_1011 : i32 to index
        %get3A_1013 = tpu.vector_load %arg7[%get3A_1012] {strides = array<i32>} : memref<4096xf32, #tpu.memory_space<vmem>>, vector<16xf32>,
        %get3A_1014 = arith.index_cast %mul3A_1011 : i32 to index
        %get3A_1015 = tpu.vector_load %arg8[%get3A_1014] {strides = array<i32>} : memref<4096xf32, #tpu.memory_space<vmem>>, vector<16xf32>,
        %get3A_1016 = arith.index_cast %mul3A_1011 : i32 to index
        %get3A_1017 = tpu.vector_load %arg9[%get3A_1016] {strides = array<i32>} : memref<4096xf32, #tpu.memory_space<vmem>>, vector<16xf32>,
        %get3A_1018 = arith.index_cast %mul3A_1011 : i32 to index
        %get3A_1019 = tpu.vector_load %arg10[%get3A_1018] {strides = array<i32>} : memref<4096xf32, #tpu.memory_space<vmem>>, vector<16xf32>,
        %mul3A_1020 = arith.mulf %get3A_1013, %mul3A_575 : vector<16xf32>
        %add3A_1021 = arith.addf %get3A_1019, %mul3A_1020 : vector<16xf32>
        %mul3A_1022 = arith.mulf %get3A_1015, %mul3A_593 : vector<16xf32>
        %add3A_1023 = arith.addf %add3A_1021, %mul3A_1022 : vector<16xf32>
        %mul3A_1024 = arith.mulf %get3A_1017, %mul3A_611 : vector<16xf32>
        %add3A_1025 = arith.addf %add3A_1023, %mul3A_1024 : vector<16xf32>
        %min3A_1026 = arith.minimumf %min3A_984, %add3A_1025 : vector<16xf32>
        %mul3A_1027 = arith.mulf %get3A_1013, %mul3A_649 : vector<16xf32>
        %add3A_1028 = arith.addf %get3A_1019, %mul3A_1027 : vector<16xf32>
        %mul3A_1029 = arith.mulf %get3A_1015, %mul3A_667 : vector<16xf32>
        %add3A_1030 = arith.addf %add3A_1028, %mul3A_1029 : vector<16xf32>
        %mul3A_1031 = arith.mulf %get3A_1017, %mul3A_685 : vector<16xf32>
        %add3A_1032 = arith.addf %add3A_1030, %mul3A_1031 : vector<16xf32>
        %min3A_1033 = arith.minimumf %min3A_991, %add3A_1032 : vector<16xf32>
        %mul3A_1034 = arith.mulf %get3A_1013, %mul3A_723 : vector<16xf32>
        %add3A_1035 = arith.addf %get3A_1019, %mul3A_1034 : vector<16xf32>
        %mul3A_1036 = arith.mulf %get3A_1015, %mul3A_741 : vector<16xf32>
        %add3A_1037 = arith.addf %add3A_1035, %mul3A_1036 : vector<16xf32>
        %mul3A_1038 = arith.mulf %get3A_1017, %mul3A_759 : vector<16xf32>
        %add3A_1039 = arith.addf %add3A_1037, %mul3A_1038 : vector<16xf32>
        %min3A_1040 = arith.minimumf %min3A_998, %add3A_1039 : vector<16xf32>
        %mul3A_1041 = arith.mulf %get3A_1013, %mul3A_797 : vector<16xf32>
        %add3A_1042 = arith.addf %get3A_1019, %mul3A_1041 : vector<16xf32>
        %mul3A_1043 = arith.mulf %get3A_1015, %mul3A_815 : vector<16xf32>
        %add3A_1044 = arith.addf %add3A_1042, %mul3A_1043 : vector<16xf32>
        %mul3A_1045 = arith.mulf %get3A_1017, %mul3A_833 : vector<16xf32>
        %add3A_1046 = arith.addf %add3A_1044, %mul3A_1045 : vector<16xf32>
        %min3A_1047 = arith.minimumf %min3A_1005, %add3A_1046 : vector<16xf32>
        scf.yield %min3A_1026, %min3A_1033, %min3A_1040, %min3A_1047 : vector<16xf32>, vector<16xf32>, vector<16xf32>, vector<16xf32>
      }
      %scan3A_839 = arith.constant 64 : i32
      %mul3A_840 = arith.constant 4 : i32
      %mul3A_841 = arith.muli %scan3A_540, %mul3A_840 : i32
      %add3A_842 = arith.constant 0 : i32
      %add3A_843 = arith.addi %mul3A_841, %add3A_842 : i32
      %mul3A_844 = arith.constant 16 : i32
      %mul3A_845 = arith.muli %add3A_843, %mul3A_844 : i32
      %add3A_846 = arith.addf %scan3A_838#0, %add3A_560 : vector<16xf32>
      %swap3A_847 = arith.index_cast %mul3A_845 : i32 to index
      %swap3A_848 = tpu.vector_load %arg11[%swap3A_847] {strides = array<i32>} : memref<1024xf32, #tpu.memory_space<vmem>>, vector<16xf32>,
      tpu.vector_store %arg11[%swap3A_847], %add3A_846 {strides = array<i32>} : memref<1024xf32, #tpu.memory_space<vmem>>, vector<16xf32>,
      %mul3A_849 = arith.constant 4 : i32
      %mul3A_850 = arith.muli %scan3A_540, %mul3A_849 : i32
      %add3A_851 = arith.constant 1 : i32
      %add3A_852 = arith.addi %mul3A_850, %add3A_851 : i32
      %mul3A_853 = arith.constant 16 : i32
      %mul3A_854 = arith.muli %add3A_852, %mul3A_853 : i32
      %add3A_855 = arith.addf %scan3A_838#1, %add3A_631 : vector<16xf32>
      %swap3A_856 = arith.index_cast %mul3A_854 : i32 to index
      %swap3A_857 = tpu.vector_load %arg11[%swap3A_856] {strides = array<i32>} : memref<1024xf32, #tpu.memory_space<vmem>>, vector<16xf32>,
      tpu.vector_store %arg11[%swap3A_856], %add3A_855 {strides = array<i32>} : memref<1024xf32, #tpu.memory_space<vmem>>, vector<16xf32>,
      %mul3A_858 = arith.constant 4 : i32
      %mul3A_859 = arith.muli %scan3A_540, %mul3A_858 : i32
      %add3A_860 = arith.constant 2 : i32
      %add3A_861 = arith.addi %mul3A_859, %add3A_860 : i32
      %mul3A_862 = arith.constant 16 : i32
      %mul3A_863 = arith.muli %add3A_861, %mul3A_862 : i32
      %add3A_864 = arith.addf %scan3A_838#2, %add3A_705 : vector<16xf32>
      %swap3A_865 = arith.index_cast %mul3A_863 : i32 to index
      %swap3A_866 = tpu.vector_load %arg11[%swap3A_865] {strides = array<i32>} : memref<1024xf32, #tpu.memory_space<vmem>>, vector<16xf32>,
      tpu.vector_store %arg11[%swap3A_865], %add3A_864 {strides = array<i32>} : memref<1024xf32, #tpu.memory_space<vmem>>, vector<16xf32>,
      %mul3A_867 = arith.constant 4 : i32
      %mul3A_868 = arith.muli %scan3A_540, %mul3A_867 : i32
      %add3A_869 = arith.constant 3 : i32
      %add3A_870 = arith.addi %mul3A_868, %add3A_869 : i32
      %mul3A_871 = arith.constant 16 : i32
      %mul3A_872 = arith.muli %add3A_870, %mul3A_871 : i32
      %add3A_873 = arith.addf %scan3A_838#3, %add3A_779 : vector<16xf32>
      %swap3A_874 = arith.index_cast %mul3A_872 : i32 to index
      %swap3A_875 = tpu.vector_load %arg11[%swap3A_874] {strides = array<i32>} : memref<1024xf32, #tpu.memory_space<vmem>>, vector<16xf32>,
      tpu.vector_store %arg11[%swap3A_874], %add3A_873 {strides = array<i32>} : memref<1024xf32, #tpu.memory_space<vmem>>, vector<16xf32>,
    }
    %scan3A_26 = arith.constant 16 : i32
    %mul3A_27 = arith.constant 16 : i32
    %mul3A_28 = vector.broadcast %mul3A_27 : i32 to vector<16xi32>
    %mul3A_29 = arith.muli %iota3A, %mul3A_28 : vector<16xi32>
    %add3A_30 = arith.constant 0 : i32
    %add3A_31 = vector.broadcast %add3A_30 : i32 to vector<16xi32>
    %add3A_32 = arith.addi %mul3A_29, %add3A_31 : vector<16xi32>
    %gather3A = tpu.vector_load_idx %arg11[%add3A_32] : memref<1024xf32, #tpu.memory_space<vmem>>[vector<16xi32>], vector<16xf32>,
    %mul3A_33 = arith.constant 16 : i32
    %mul3A_34 = vector.broadcast %mul3A_33 : i32 to vector<16xi32>
    %mul3A_35 = arith.muli %iota3A, %mul3A_34 : vector<16xi32>
    %add3A_36 = arith.constant 1 : i32
    %add3A_37 = vector.broadcast %add3A_36 : i32 to vector<16xi32>
    %add3A_38 = arith.addi %mul3A_35, %add3A_37 : vector<16xi32>
    %gather3A_39 = tpu.vector_load_idx %arg11[%add3A_38] : memref<1024xf32, #tpu.memory_space<vmem>>[vector<16xi32>], vector<16xf32>,
    %min3A = arith.minimumf %gather3A, %gather3A_39 : vector<16xf32>
    %mul3A_40 = arith.constant 16 : i32
    %mul3A_41 = vector.broadcast %mul3A_40 : i32 to vector<16xi32>
    %mul3A_42 = arith.muli %iota3A, %mul3A_41 : vector<16xi32>
    %add3A_43 = arith.constant 2 : i32
    %add3A_44 = vector.broadcast %add3A_43 : i32 to vector<16xi32>
    %add3A_45 = arith.addi %mul3A_42, %add3A_44 : vector<16xi32>
    %gather3A_46 = tpu.vector_load_idx %arg11[%add3A_45] : memref<1024xf32, #tpu.memory_space<vmem>>[vector<16xi32>], vector<16xf32>,
    %min3A_47 = arith.minimumf %min3A, %gather3A_46 : vector<16xf32>
    %mul3A_48 = arith.constant 16 : i32
    %mul3A_49 = vector.broadcast %mul3A_48 : i32 to vector<16xi32>
    %mul3A_50 = arith.muli %iota3A, %mul3A_49 : vector<16xi32>
    %add3A_51 = arith.constant 3 : i32
    %add3A_52 = vector.broadcast %add3A_51 : i32 to vector<16xi32>
    %add3A_53 = arith.addi %mul3A_50, %add3A_52 : vector<16xi32>
    %gather3A_54 = tpu.vector_load_idx %arg11[%add3A_53] : memref<1024xf32, #tpu.memory_space<vmem>>[vector<16xi32>], vector<16xf32>,
    %min3A_55 = arith.minimumf %min3A_47, %gather3A_54 : vector<16xf32>
    %mul3A_56 = arith.constant 16 : i32
    %mul3A_57 = vector.broadcast %mul3A_56 : i32 to vector<16xi32>
    %mul3A_58 = arith.muli %iota3A, %mul3A_57 : vector<16xi32>
    %add3A_59 = arith.constant 4 : i32
    %add3A_60 = vector.broadcast %add3A_59 : i32 to vector<16xi32>
    %add3A_61 = arith.addi %mul3A_58, %add3A_60 : vector<16xi32>
    %gather3A_62 = tpu.vector_load_idx %arg11[%add3A_61] : memref<1024xf32, #tpu.memory_space<vmem>>[vector<16xi32>], vector<16xf32>,
    %min3A_63 = arith.minimumf %min3A_55, %gather3A_62 : vector<16xf32>
    %mul3A_64 = arith.constant 16 : i32
    %mul3A_65 = vector.broadcast %mul3A_64 : i32 to vector<16xi32>
    %mul3A_66 = arith.muli %iota3A, %mul3A_65 : vector<16xi32>
    %add3A_67 = arith.constant 5 : i32
    %add3A_68 = vector.broadcast %add3A_67 : i32 to vector<16xi32>
    %add3A_69 = arith.addi %mul3A_66, %add3A_68 : vector<16xi32>
    %gather3A_70 = tpu.vector_load_idx %arg11[%add3A_69] : memref<1024xf32, #tpu.memory_space<vmem>>[vector<16xi32>], vector<16xf32>,
    %min3A_71 = arith.minimumf %min3A_63, %gather3A_70 : vector<16xf32>
    %mul3A_72 = arith.constant 16 : i32
    %mul3A_73 = vector.broadcast %mul3A_72 : i32 to vector<16xi32>
    %mul3A_74 = arith.muli %iota3A, %mul3A_73 : vector<16xi32>
    %add3A_75 = arith.constant 6 : i32
    %add3A_76 = vector.broadcast %add3A_75 : i32 to vector<16xi32>
    %add3A_77 = arith.addi %mul3A_74, %add3A_76 : vector<16xi32>
    %gather3A_78 = tpu.vector_load_idx %arg11[%add3A_77] : memref<1024xf32, #tpu.memory_space<vmem>>[vector<16xi32>], vector<16xf32>,
    %min3A_79 = arith.minimumf %min3A_71, %gather3A_78 : vector<16xf32>
    %mul3A_80 = arith.constant 16 : i32
    %mul3A_81 = vector.broadcast %mul3A_80 : i32 to vector<16xi32>
    %mul3A_82 = arith.muli %iota3A, %mul3A_81 : vector<16xi32>
    %add3A_83 = arith.constant 7 : i32
    %add3A_84 = vector.broadcast %add3A_83 : i32 to vector<16xi32>
    %add3A_85 = arith.addi %mul3A_82, %add3A_84 : vector<16xi32>
    %gather3A_86 = tpu.vector_load_idx %arg11[%add3A_85] : memref<1024xf32, #tpu.memory_space<vmem>>[vector<16xi32>], vector<16xf32>,
    %min3A_87 = arith.minimumf %min3A_79, %gather3A_86 : vector<16xf32>
    %mul3A_88 = arith.constant 16 : i32
    %mul3A_89 = vector.broadcast %mul3A_88 : i32 to vector<16xi32>
    %mul3A_90 = arith.muli %iota3A, %mul3A_89 : vector<16xi32>
    %add3A_91 = arith.constant 8 : i32
    %add3A_92 = vector.broadcast %add3A_91 : i32 to vector<16xi32>
    %add3A_93 = arith.addi %mul3A_90, %add3A_92 : vector<16xi32>
    %gather3A_94 = tpu.vector_load_idx %arg11[%add3A_93] : memref<1024xf32, #tpu.memory_space<vmem>>[vector<16xi32>], vector<16xf32>,
    %min3A_95 = arith.minimumf %min3A_87, %gather3A_94 : vector<16xf32>
    %mul3A_96 = arith.constant 16 : i32
    %mul3A_97 = vector.broadcast %mul3A_96 : i32 to vector<16xi32>
    %mul3A_98 = arith.muli %iota3A, %mul3A_97 : vector<16xi32>
    %add3A_99 = arith.constant 9 : i32
    %add3A_100 = vector.broadcast %add3A_99 : i32 to vector<16xi32>
    %add3A_101 = arith.addi %mul3A_98, %add3A_100 : vector<16xi32>
    %gather3A_102 = tpu.vector_load_idx %arg11[%add3A_101] : memref<1024xf32, #tpu.memory_space<vmem>>[vector<16xi32>], vector<16xf32>,
    %min3A_103 = arith.minimumf %min3A_95, %gather3A_102 : vector<16xf32>
    %mul3A_104 = arith.constant 16 : i32
    %mul3A_105 = vector.broadcast %mul3A_104 : i32 to vector<16xi32>
    %mul3A_106 = arith.muli %iota3A, %mul3A_105 : vector<16xi32>
    %add3A_107 = arith.constant 10 : i32
    %add3A_108 = vector.broadcast %add3A_107 : i32 to vector<16xi32>
    %add3A_109 = arith.addi %mul3A_106, %add3A_108 : vector<16xi32>
    %gather3A_110 = tpu.vector_load_idx %arg11[%add3A_109] : memref<1024xf32, #tpu.memory_space<vmem>>[vector<16xi32>], vector<16xf32>,
    %min3A_111 = arith.minimumf %min3A_103, %gather3A_110 : vector<16xf32>
    %mul3A_112 = arith.constant 16 : i32
    %mul3A_113 = vector.broadcast %mul3A_112 : i32 to vector<16xi32>
    %mul3A_114 = arith.muli %iota3A, %mul3A_113 : vector<16xi32>
    %add3A_115 = arith.constant 11 : i32
    %add3A_116 = vector.broadcast %add3A_115 : i32 to vector<16xi32>
    %add3A_117 = arith.addi %mul3A_114, %add3A_116 : vector<16xi32>
    %gather3A_118 = tpu.vector_load_idx %arg11[%add3A_117] : memref<1024xf32, #tpu.memory_space<vmem>>[vector<16xi32>], vector<16xf32>,
    %min3A_119 = arith.minimumf %min3A_111, %gather3A_118 : vector<16xf32>
    %mul3A_120 = arith.constant 16 : i32
    %mul3A_121 = vector.broadcast %mul3A_120 : i32 to vector<16xi32>
    %mul3A_122 = arith.muli %iota3A, %mul3A_121 : vector<16xi32>
    %add3A_123 = arith.constant 12 : i32
    %add3A_124 = vector.broadcast %add3A_123 : i32 to vector<16xi32>
    %add3A_125 = arith.addi %mul3A_122, %add3A_124 : vector<16xi32>
    %gather3A_126 = tpu.vector_load_idx %arg11[%add3A_125] : memref<1024xf32, #tpu.memory_space<vmem>>[vector<16xi32>], vector<16xf32>,
    %min3A_127 = arith.minimumf %min3A_119, %gather3A_126 : vector<16xf32>
    %mul3A_128 = arith.constant 16 : i32
    %mul3A_129 = vector.broadcast %mul3A_128 : i32 to vector<16xi32>
    %mul3A_130 = arith.muli %iota3A, %mul3A_129 : vector<16xi32>
    %add3A_131 = arith.constant 13 : i32
    %add3A_132 = vector.broadcast %add3A_131 : i32 to vector<16xi32>
    %add3A_133 = arith.addi %mul3A_130, %add3A_132 : vector<16xi32>
    %gather3A_134 = tpu.vector_load_idx %arg11[%add3A_133] : memref<1024xf32, #tpu.memory_space<vmem>>[vector<16xi32>], vector<16xf32>,
    %min3A_135 = arith.minimumf %min3A_127, %gather3A_134 : vector<16xf32>
    %mul3A_136 = arith.constant 16 : i32
    %mul3A_137 = vector.broadcast %mul3A_136 : i32 to vector<16xi32>
    %mul3A_138 = arith.muli %iota3A, %mul3A_137 : vector<16xi32>
    %add3A_139 = arith.constant 14 : i32
    %add3A_140 = vector.broadcast %add3A_139 : i32 to vector<16xi32>
    %add3A_141 = arith.addi %mul3A_138, %add3A_140 : vector<16xi32>
    %gather3A_142 = tpu.vector_load_idx %arg11[%add3A_141] : memref<1024xf32, #tpu.memory_space<vmem>>[vector<16xi32>], vector<16xf32>,
    %min3A_143 = arith.minimumf %min3A_135, %gather3A_142 : vector<16xf32>
    %mul3A_144 = arith.constant 16 : i32
    %mul3A_145 = vector.broadcast %mul3A_144 : i32 to vector<16xi32>
    %mul3A_146 = arith.muli %iota3A, %mul3A_145 : vector<16xi32>
    %add3A_147 = arith.constant 15 : i32
    %add3A_148 = vector.broadcast %add3A_147 : i32 to vector<16xi32>
    %add3A_149 = arith.addi %mul3A_146, %add3A_148 : vector<16xi32>
    %gather3A_150 = tpu.vector_load_idx %arg11[%add3A_149] : memref<1024xf32, #tpu.memory_space<vmem>>[vector<16xi32>], vector<16xf32>,
    %min3A_151 = arith.minimumf %min3A_143, %gather3A_150 : vector<16xf32>
    %swap3A = arith.constant 0 : index
    %swap3A_152 = tpu.vector_load %arg12[%swap3A] {strides = array<i32>} : memref<64xf32, #tpu.memory_space<vmem>>, vector<16xf32>,
    tpu.vector_store %arg12[%swap3A], %min3A_151 {strides = array<i32>} : memref<64xf32, #tpu.memory_space<vmem>>, vector<16xf32>,
    %mul3A_153 = arith.constant 16 : i32
    %mul3A_154 = vector.broadcast %mul3A_153 : i32 to vector<16xi32>
    %mul3A_155 = arith.muli %iota3A, %mul3A_154 : vector<16xi32>
    %add3A_156 = arith.constant 256 : i32
    %add3A_157 = vector.broadcast %add3A_156 : i32 to vector<16xi32>
    %add3A_158 = arith.addi %mul3A_155, %add3A_157 : vector<16xi32>
    %gather3A_159 = tpu.vector_load_idx %arg11[%add3A_158] : memref<1024xf32, #tpu.memory_space<vmem>>[vector<16xi32>], vector<16xf32>,
    %mul3A_160 = arith.constant 16 : i32
    %mul3A_161 = vector.broadcast %mul3A_160 : i32 to vector<16xi32>
    %mul3A_162 = arith.muli %iota3A, %mul3A_161 : vector<16xi32>
    %add3A_163 = arith.constant 257 : i32
    %add3A_164 = vector.broadcast %add3A_163 : i32 to vector<16xi32>
    %add3A_165 = arith.addi %mul3A_162, %add3A_164 : vector<16xi32>
    %gather3A_166 = tpu.vector_load_idx %arg11[%add3A_165] : memref<1024xf32, #tpu.memory_space<vmem>>[vector<16xi32>], vector<16xf32>,
    %min3A_167 = arith.minimumf %gather3A_159, %gather3A_166 : vector<16xf32>
    %mul3A_168 = arith.constant 16 : i32
    %mul3A_169 = vector.broadcast %mul3A_168 : i32 to vector<16xi32>
    %mul3A_170 = arith.muli %iota3A, %mul3A_169 : vector<16xi32>
    %add3A_171 = arith.constant 258 : i32
    %add3A_172 = vector.broadcast %add3A_171 : i32 to vector<16xi32>
    %add3A_173 = arith.addi %mul3A_170, %add3A_172 : vector<16xi32>
    %gather3A_174 = tpu.vector_load_idx %arg11[%add3A_173] : memref<1024xf32, #tpu.memory_space<vmem>>[vector<16xi32>], vector<16xf32>,
    %min3A_175 = arith.minimumf %min3A_167, %gather3A_174 : vector<16xf32>
    %mul3A_176 = arith.constant 16 : i32
    %mul3A_177 = vector.broadcast %mul3A_176 : i32 to vector<16xi32>
    %mul3A_178 = arith.muli %iota3A, %mul3A_177 : vector<16xi32>
    %add3A_179 = arith.constant 259 : i32
    %add3A_180 = vector.broadcast %add3A_179 : i32 to vector<16xi32>
    %add3A_181 = arith.addi %mul3A_178, %add3A_180 : vector<16xi32>
    %gather3A_182 = tpu.vector_load_idx %arg11[%add3A_181] : memref<1024xf32, #tpu.memory_space<vmem>>[vector<16xi32>], vector<16xf32>,
    %min3A_183 = arith.minimumf %min3A_175, %gather3A_182 : vector<16xf32>
    %mul3A_184 = arith.constant 16 : i32
    %mul3A_185 = vector.broadcast %mul3A_184 : i32 to vector<16xi32>
    %mul3A_186 = arith.muli %iota3A, %mul3A_185 : vector<16xi32>
    %add3A_187 = arith.constant 260 : i32
    %add3A_188 = vector.broadcast %add3A_187 : i32 to vector<16xi32>
    %add3A_189 = arith.addi %mul3A_186, %add3A_188 : vector<16xi32>
    %gather3A_190 = tpu.vector_load_idx %arg11[%add3A_189] : memref<1024xf32, #tpu.memory_space<vmem>>[vector<16xi32>], vector<16xf32>,
    %min3A_191 = arith.minimumf %min3A_183, %gather3A_190 : vector<16xf32>
    %mul3A_192 = arith.constant 16 : i32
    %mul3A_193 = vector.broadcast %mul3A_192 : i32 to vector<16xi32>
    %mul3A_194 = arith.muli %iota3A, %mul3A_193 : vector<16xi32>
    %add3A_195 = arith.constant 261 : i32
    %add3A_196 = vector.broadcast %add3A_195 : i32 to vector<16xi32>
    %add3A_197 = arith.addi %mul3A_194, %add3A_196 : vector<16xi32>
    %gather3A_198 = tpu.vector_load_idx %arg11[%add3A_197] : memref<1024xf32, #tpu.memory_space<vmem>>[vector<16xi32>], vector<16xf32>,
    %min3A_199 = arith.minimumf %min3A_191, %gather3A_198 : vector<16xf32>
    %mul3A_200 = arith.constant 16 : i32
    %mul3A_201 = vector.broadcast %mul3A_200 : i32 to vector<16xi32>
    %mul3A_202 = arith.muli %iota3A, %mul3A_201 : vector<16xi32>
    %add3A_203 = arith.constant 262 : i32
    %add3A_204 = vector.broadcast %add3A_203 : i32 to vector<16xi32>
    %add3A_205 = arith.addi %mul3A_202, %add3A_204 : vector<16xi32>
    %gather3A_206 = tpu.vector_load_idx %arg11[%add3A_205] : memref<1024xf32, #tpu.memory_space<vmem>>[vector<16xi32>], vector<16xf32>,
    %min3A_207 = arith.minimumf %min3A_199, %gather3A_206 : vector<16xf32>
    %mul3A_208 = arith.constant 16 : i32
    %mul3A_209 = vector.broadcast %mul3A_208 : i32 to vector<16xi32>
    %mul3A_210 = arith.muli %iota3A, %mul3A_209 : vector<16xi32>
    %add3A_211 = arith.constant 263 : i32
    %add3A_212 = vector.broadcast %add3A_211 : i32 to vector<16xi32>
    %add3A_213 = arith.addi %mul3A_210, %add3A_212 : vector<16xi32>
    %gather3A_214 = tpu.vector_load_idx %arg11[%add3A_213] : memref<1024xf32, #tpu.memory_space<vmem>>[vector<16xi32>], vector<16xf32>,
    %min3A_215 = arith.minimumf %min3A_207, %gather3A_214 : vector<16xf32>
    %mul3A_216 = arith.constant 16 : i32
    %mul3A_217 = vector.broadcast %mul3A_216 : i32 to vector<16xi32>
    %mul3A_218 = arith.muli %iota3A, %mul3A_217 : vector<16xi32>
    %add3A_219 = arith.constant 264 : i32
    %add3A_220 = vector.broadcast %add3A_219 : i32 to vector<16xi32>
    %add3A_221 = arith.addi %mul3A_218, %add3A_220 : vector<16xi32>
    %gather3A_222 = tpu.vector_load_idx %arg11[%add3A_221] : memref<1024xf32, #tpu.memory_space<vmem>>[vector<16xi32>], vector<16xf32>,
    %min3A_223 = arith.minimumf %min3A_215, %gather3A_222 : vector<16xf32>
    %mul3A_224 = arith.constant 16 : i32
    %mul3A_225 = vector.broadcast %mul3A_224 : i32 to vector<16xi32>
    %mul3A_226 = arith.muli %iota3A, %mul3A_225 : vector<16xi32>
    %add3A_227 = arith.constant 265 : i32
    %add3A_228 = vector.broadcast %add3A_227 : i32 to vector<16xi32>
    %add3A_229 = arith.addi %mul3A_226, %add3A_228 : vector<16xi32>
    %gather3A_230 = tpu.vector_load_idx %arg11[%add3A_229] : memref<1024xf32, #tpu.memory_space<vmem>>[vector<16xi32>], vector<16xf32>,
    %min3A_231 = arith.minimumf %min3A_223, %gather3A_230 : vector<16xf32>
    %mul3A_232 = arith.constant 16 : i32
    %mul3A_233 = vector.broadcast %mul3A_232 : i32 to vector<16xi32>
    %mul3A_234 = arith.muli %iota3A, %mul3A_233 : vector<16xi32>
    %add3A_235 = arith.constant 266 : i32
    %add3A_236 = vector.broadcast %add3A_235 : i32 to vector<16xi32>
    %add3A_237 = arith.addi %mul3A_234, %add3A_236 : vector<16xi32>
    %gather3A_238 = tpu.vector_load_idx %arg11[%add3A_237] : memref<1024xf32, #tpu.memory_space<vmem>>[vector<16xi32>], vector<16xf32>,
    %min3A_239 = arith.minimumf %min3A_231, %gather3A_238 : vector<16xf32>
    %mul3A_240 = arith.constant 16 : i32
    %mul3A_241 = vector.broadcast %mul3A_240 : i32 to vector<16xi32>
    %mul3A_242 = arith.muli %iota3A, %mul3A_241 : vector<16xi32>
    %add3A_243 = arith.constant 267 : i32
    %add3A_244 = vector.broadcast %add3A_243 : i32 to vector<16xi32>
    %add3A_245 = arith.addi %mul3A_242, %add3A_244 : vector<16xi32>
    %gather3A_246 = tpu.vector_load_idx %arg11[%add3A_245] : memref<1024xf32, #tpu.memory_space<vmem>>[vector<16xi32>], vector<16xf32>,
    %min3A_247 = arith.minimumf %min3A_239, %gather3A_246 : vector<16xf32>
    %mul3A_248 = arith.constant 16 : i32
    %mul3A_249 = vector.broadcast %mul3A_248 : i32 to vector<16xi32>
    %mul3A_250 = arith.muli %iota3A, %mul3A_249 : vector<16xi32>
    %add3A_251 = arith.constant 268 : i32
    %add3A_252 = vector.broadcast %add3A_251 : i32 to vector<16xi32>
    %add3A_253 = arith.addi %mul3A_250, %add3A_252 : vector<16xi32>
    %gather3A_254 = tpu.vector_load_idx %arg11[%add3A_253] : memref<1024xf32, #tpu.memory_space<vmem>>[vector<16xi32>], vector<16xf32>,
    %min3A_255 = arith.minimumf %min3A_247, %gather3A_254 : vector<16xf32>
    %mul3A_256 = arith.constant 16 : i32
    %mul3A_257 = vector.broadcast %mul3A_256 : i32 to vector<16xi32>
    %mul3A_258 = arith.muli %iota3A, %mul3A_257 : vector<16xi32>
    %add3A_259 = arith.constant 269 : i32
    %add3A_260 = vector.broadcast %add3A_259 : i32 to vector<16xi32>
    %add3A_261 = arith.addi %mul3A_258, %add3A_260 : vector<16xi32>
    %gather3A_262 = tpu.vector_load_idx %arg11[%add3A_261] : memref<1024xf32, #tpu.memory_space<vmem>>[vector<16xi32>], vector<16xf32>,
    %min3A_263 = arith.minimumf %min3A_255, %gather3A_262 : vector<16xf32>
    %mul3A_264 = arith.constant 16 : i32
    %mul3A_265 = vector.broadcast %mul3A_264 : i32 to vector<16xi32>
    %mul3A_266 = arith.muli %iota3A, %mul3A_265 : vector<16xi32>
    %add3A_267 = arith.constant 270 : i32
    %add3A_268 = vector.broadcast %add3A_267 : i32 to vector<16xi32>
    %add3A_269 = arith.addi %mul3A_266, %add3A_268 : vector<16xi32>
    %gather3A_270 = tpu.vector_load_idx %arg11[%add3A_269] : memref<1024xf32, #tpu.memory_space<vmem>>[vector<16xi32>], vector<16xf32>,
    %min3A_271 = arith.minimumf %min3A_263, %gather3A_270 : vector<16xf32>
    %mul3A_272 = arith.constant 16 : i32
    %mul3A_273 = vector.broadcast %mul3A_272 : i32 to vector<16xi32>
    %mul3A_274 = arith.muli %iota3A, %mul3A_273 : vector<16xi32>
    %add3A_275 = arith.constant 271 : i32
    %add3A_276 = vector.broadcast %add3A_275 : i32 to vector<16xi32>
    %add3A_277 = arith.addi %mul3A_274, %add3A_276 : vector<16xi32>
    %gather3A_278 = tpu.vector_load_idx %arg11[%add3A_277] : memref<1024xf32, #tpu.memory_space<vmem>>[vector<16xi32>], vector<16xf32>,
    %min3A_279 = arith.minimumf %min3A_271, %gather3A_278 : vector<16xf32>
    %swap3A_280 = arith.constant 16 : index
    %swap3A_281 = tpu.vector_load %arg12[%swap3A_280] {strides = array<i32>} : memref<64xf32, #tpu.memory_space<vmem>>, vector<16xf32>,
    tpu.vector_store %arg12[%swap3A_280], %min3A_279 {strides = array<i32>} : memref<64xf32, #tpu.memory_space<vmem>>, vector<16xf32>,
    %mul3A_282 = arith.constant 16 : i32
    %mul3A_283 = vector.broadcast %mul3A_282 : i32 to vector<16xi32>
    %mul3A_284 = arith.muli %iota3A, %mul3A_283 : vector<16xi32>
    %add3A_285 = arith.constant 512 : i32
    %add3A_286 = vector.broadcast %add3A_285 : i32 to vector<16xi32>
    %add3A_287 = arith.addi %mul3A_284, %add3A_286 : vector<16xi32>
    %gather3A_288 = tpu.vector_load_idx %arg11[%add3A_287] : memref<1024xf32, #tpu.memory_space<vmem>>[vector<16xi32>], vector<16xf32>,
    %mul3A_289 = arith.constant 16 : i32
    %mul3A_290 = vector.broadcast %mul3A_289 : i32 to vector<16xi32>
    %mul3A_291 = arith.muli %iota3A, %mul3A_290 : vector<16xi32>
    %add3A_292 = arith.constant 513 : i32
    %add3A_293 = vector.broadcast %add3A_292 : i32 to vector<16xi32>
    %add3A_294 = arith.addi %mul3A_291, %add3A_293 : vector<16xi32>
    %gather3A_295 = tpu.vector_load_idx %arg11[%add3A_294] : memref<1024xf32, #tpu.memory_space<vmem>>[vector<16xi32>], vector<16xf32>,
    %min3A_296 = arith.minimumf %gather3A_288, %gather3A_295 : vector<16xf32>
    %mul3A_297 = arith.constant 16 : i32
    %mul3A_298 = vector.broadcast %mul3A_297 : i32 to vector<16xi32>
    %mul3A_299 = arith.muli %iota3A, %mul3A_298 : vector<16xi32>
    %add3A_300 = arith.constant 514 : i32
    %add3A_301 = vector.broadcast %add3A_300 : i32 to vector<16xi32>
    %add3A_302 = arith.addi %mul3A_299, %add3A_301 : vector<16xi32>
    %gather3A_303 = tpu.vector_load_idx %arg11[%add3A_302] : memref<1024xf32, #tpu.memory_space<vmem>>[vector<16xi32>], vector<16xf32>,
    %min3A_304 = arith.minimumf %min3A_296, %gather3A_303 : vector<16xf32>
    %mul3A_305 = arith.constant 16 : i32
    %mul3A_306 = vector.broadcast %mul3A_305 : i32 to vector<16xi32>
    %mul3A_307 = arith.muli %iota3A, %mul3A_306 : vector<16xi32>
    %add3A_308 = arith.constant 515 : i32
    %add3A_309 = vector.broadcast %add3A_308 : i32 to vector<16xi32>
    %add3A_310 = arith.addi %mul3A_307, %add3A_309 : vector<16xi32>
    %gather3A_311 = tpu.vector_load_idx %arg11[%add3A_310] : memref<1024xf32, #tpu.memory_space<vmem>>[vector<16xi32>], vector<16xf32>,
    %min3A_312 = arith.minimumf %min3A_304, %gather3A_311 : vector<16xf32>
    %mul3A_313 = arith.constant 16 : i32
    %mul3A_314 = vector.broadcast %mul3A_313 : i32 to vector<16xi32>
    %mul3A_315 = arith.muli %iota3A, %mul3A_314 : vector<16xi32>
    %add3A_316 = arith.constant 516 : i32
    %add3A_317 = vector.broadcast %add3A_316 : i32 to vector<16xi32>
    %add3A_318 = arith.addi %mul3A_315, %add3A_317 : vector<16xi32>
    %gather3A_319 = tpu.vector_load_idx %arg11[%add3A_318] : memref<1024xf32, #tpu.memory_space<vmem>>[vector<16xi32>], vector<16xf32>,
    %min3A_320 = arith.minimumf %min3A_312, %gather3A_319 : vector<16xf32>
    %mul3A_321 = arith.constant 16 : i32
    %mul3A_322 = vector.broadcast %mul3A_321 : i32 to vector<16xi32>
    %mul3A_323 = arith.muli %iota3A, %mul3A_322 : vector<16xi32>
    %add3A_324 = arith.constant 517 : i32
    %add3A_325 = vector.broadcast %add3A_324 : i32 to vector<16xi32>
    %add3A_326 = arith.addi %mul3A_323, %add3A_325 : vector<16xi32>
    %gather3A_327 = tpu.vector_load_idx %arg11[%add3A_326] : memref<1024xf32, #tpu.memory_space<vmem>>[vector<16xi32>], vector<16xf32>,
    %min3A_328 = arith.minimumf %min3A_320, %gather3A_327 : vector<16xf32>
    %mul3A_329 = arith.constant 16 : i32
    %mul3A_330 = vector.broadcast %mul3A_329 : i32 to vector<16xi32>
    %mul3A_331 = arith.muli %iota3A, %mul3A_330 : vector<16xi32>
    %add3A_332 = arith.constant 518 : i32
    %add3A_333 = vector.broadcast %add3A_332 : i32 to vector<16xi32>
    %add3A_334 = arith.addi %mul3A_331, %add3A_333 : vector<16xi32>
    %gather3A_335 = tpu.vector_load_idx %arg11[%add3A_334] : memref<1024xf32, #tpu.memory_space<vmem>>[vector<16xi32>], vector<16xf32>,
    %min3A_336 = arith.minimumf %min3A_328, %gather3A_335 : vector<16xf32>
    %mul3A_337 = arith.constant 16 : i32
    %mul3A_338 = vector.broadcast %mul3A_337 : i32 to vector<16xi32>
    %mul3A_339 = arith.muli %iota3A, %mul3A_338 : vector<16xi32>
    %add3A_340 = arith.constant 519 : i32
    %add3A_341 = vector.broadcast %add3A_340 : i32 to vector<16xi32>
    %add3A_342 = arith.addi %mul3A_339, %add3A_341 : vector<16xi32>
    %gather3A_343 = tpu.vector_load_idx %arg11[%add3A_342] : memref<1024xf32, #tpu.memory_space<vmem>>[vector<16xi32>], vector<16xf32>,
    %min3A_344 = arith.minimumf %min3A_336, %gather3A_343 : vector<16xf32>
    %mul3A_345 = arith.constant 16 : i32
    %mul3A_346 = vector.broadcast %mul3A_345 : i32 to vector<16xi32>
    %mul3A_347 = arith.muli %iota3A, %mul3A_346 : vector<16xi32>
    %add3A_348 = arith.constant 520 : i32
    %add3A_349 = vector.broadcast %add3A_348 : i32 to vector<16xi32>
    %add3A_350 = arith.addi %mul3A_347, %add3A_349 : vector<16xi32>
    %gather3A_351 = tpu.vector_load_idx %arg11[%add3A_350] : memref<1024xf32, #tpu.memory_space<vmem>>[vector<16xi32>], vector<16xf32>,
    %min3A_352 = arith.minimumf %min3A_344, %gather3A_351 : vector<16xf32>
    %mul3A_353 = arith.constant 16 : i32
    %mul3A_354 = vector.broadcast %mul3A_353 : i32 to vector<16xi32>
    %mul3A_355 = arith.muli %iota3A, %mul3A_354 : vector<16xi32>
    %add3A_356 = arith.constant 521 : i32
    %add3A_357 = vector.broadcast %add3A_356 : i32 to vector<16xi32>
    %add3A_358 = arith.addi %mul3A_355, %add3A_357 : vector<16xi32>
    %gather3A_359 = tpu.vector_load_idx %arg11[%add3A_358] : memref<1024xf32, #tpu.memory_space<vmem>>[vector<16xi32>], vector<16xf32>,
    %min3A_360 = arith.minimumf %min3A_352, %gather3A_359 : vector<16xf32>
    %mul3A_361 = arith.constant 16 : i32
    %mul3A_362 = vector.broadcast %mul3A_361 : i32 to vector<16xi32>
    %mul3A_363 = arith.muli %iota3A, %mul3A_362 : vector<16xi32>
    %add3A_364 = arith.constant 522 : i32
    %add3A_365 = vector.broadcast %add3A_364 : i32 to vector<16xi32>
    %add3A_366 = arith.addi %mul3A_363, %add3A_365 : vector<16xi32>
    %gather3A_367 = tpu.vector_load_idx %arg11[%add3A_366] : memref<1024xf32, #tpu.memory_space<vmem>>[vector<16xi32>], vector<16xf32>,
    %min3A_368 = arith.minimumf %min3A_360, %gather3A_367 : vector<16xf32>
    %mul3A_369 = arith.constant 16 : i32
    %mul3A_370 = vector.broadcast %mul3A_369 : i32 to vector<16xi32>
    %mul3A_371 = arith.muli %iota3A, %mul3A_370 : vector<16xi32>
    %add3A_372 = arith.constant 523 : i32
    %add3A_373 = vector.broadcast %add3A_372 : i32 to vector<16xi32>
    %add3A_374 = arith.addi %mul3A_371, %add3A_373 : vector<16xi32>
    %gather3A_375 = tpu.vector_load_idx %arg11[%add3A_374] : memref<1024xf32, #tpu.memory_space<vmem>>[vector<16xi32>], vector<16xf32>,
    %min3A_376 = arith.minimumf %min3A_368, %gather3A_375 : vector<16xf32>
    %mul3A_377 = arith.constant 16 : i32
    %mul3A_378 = vector.broadcast %mul3A_377 : i32 to vector<16xi32>
    %mul3A_379 = arith.muli %iota3A, %mul3A_378 : vector<16xi32>
    %add3A_380 = arith.constant 524 : i32
    %add3A_381 = vector.broadcast %add3A_380 : i32 to vector<16xi32>
    %add3A_382 = arith.addi %mul3A_379, %add3A_381 : vector<16xi32>
    %gather3A_383 = tpu.vector_load_idx %arg11[%add3A_382] : memref<1024xf32, #tpu.memory_space<vmem>>[vector<16xi32>], vector<16xf32>,
    %min3A_384 = arith.minimumf %min3A_376, %gather3A_383 : vector<16xf32>
    %mul3A_385 = arith.constant 16 : i32
    %mul3A_386 = vector.broadcast %mul3A_385 : i32 to vector<16xi32>
    %mul3A_387 = arith.muli %iota3A, %mul3A_386 : vector<16xi32>
    %add3A_388 = arith.constant 525 : i32
    %add3A_389 = vector.broadcast %add3A_388 : i32 to vector<16xi32>
    %add3A_390 = arith.addi %mul3A_387, %add3A_389 : vector<16xi32>
    %gather3A_391 = tpu.vector_load_idx %arg11[%add3A_390] : memref<1024xf32, #tpu.memory_space<vmem>>[vector<16xi32>], vector<16xf32>,
    %min3A_392 = arith.minimumf %min3A_384, %gather3A_391 : vector<16xf32>
    %mul3A_393 = arith.constant 16 : i32
    %mul3A_394 = vector.broadcast %mul3A_393 : i32 to vector<16xi32>
    %mul3A_395 = arith.muli %iota3A, %mul3A_394 : vector<16xi32>
    %add3A_396 = arith.constant 526 : i32
    %add3A_397 = vector.broadcast %add3A_396 : i32 to vector<16xi32>
    %add3A_398 = arith.addi %mul3A_395, %add3A_397 : vector<16xi32>
    %gather3A_399 = tpu.vector_load_idx %arg11[%add3A_398] : memref<1024xf32, #tpu.memory_space<vmem>>[vector<16xi32>], vector<16xf32>,
    %min3A_400 = arith.minimumf %min3A_392, %gather3A_399 : vector<16xf32>
    %mul3A_401 = arith.constant 16 : i32
    %mul3A_402 = vector.broadcast %mul3A_401 : i32 to vector<16xi32>
    %mul3A_403 = arith.muli %iota3A, %mul3A_402 : vector<16xi32>
    %add3A_404 = arith.constant 527 : i32
    %add3A_405 = vector.broadcast %add3A_404 : i32 to vector<16xi32>
    %add3A_406 = arith.addi %mul3A_403, %add3A_405 : vector<16xi32>
    %gather3A_407 = tpu.vector_load_idx %arg11[%add3A_406] : memref<1024xf32, #tpu.memory_space<vmem>>[vector<16xi32>], vector<16xf32>,
    %min3A_408 = arith.minimumf %min3A_400, %gather3A_407 : vector<16xf32>
    %swap3A_409 = arith.constant 32 : index
    %swap3A_410 = tpu.vector_load %arg12[%swap3A_409] {strides = array<i32>} : memref<64xf32, #tpu.memory_space<vmem>>, vector<16xf32>,
    tpu.vector_store %arg12[%swap3A_409], %min3A_408 {strides = array<i32>} : memref<64xf32, #tpu.memory_space<vmem>>, vector<16xf32>,
    %mul3A_411 = arith.constant 16 : i32
    %mul3A_412 = vector.broadcast %mul3A_411 : i32 to vector<16xi32>
    %mul3A_413 = arith.muli %iota3A, %mul3A_412 : vector<16xi32>
    %add3A_414 = arith.constant 768 : i32
    %add3A_415 = vector.broadcast %add3A_414 : i32 to vector<16xi32>
    %add3A_416 = arith.addi %mul3A_413, %add3A_415 : vector<16xi32>
    %gather3A_417 = tpu.vector_load_idx %arg11[%add3A_416] : memref<1024xf32, #tpu.memory_space<vmem>>[vector<16xi32>], vector<16xf32>,
    %mul3A_418 = arith.constant 16 : i32
    %mul3A_419 = vector.broadcast %mul3A_418 : i32 to vector<16xi32>
    %mul3A_420 = arith.muli %iota3A, %mul3A_419 : vector<16xi32>
    %add3A_421 = arith.constant 769 : i32
    %add3A_422 = vector.broadcast %add3A_421 : i32 to vector<16xi32>
    %add3A_423 = arith.addi %mul3A_420, %add3A_422 : vector<16xi32>
    %gather3A_424 = tpu.vector_load_idx %arg11[%add3A_423] : memref<1024xf32, #tpu.memory_space<vmem>>[vector<16xi32>], vector<16xf32>,
    %min3A_425 = arith.minimumf %gather3A_417, %gather3A_424 : vector<16xf32>
    %mul3A_426 = arith.constant 16 : i32
    %mul3A_427 = vector.broadcast %mul3A_426 : i32 to vector<16xi32>
    %mul3A_428 = arith.muli %iota3A, %mul3A_427 : vector<16xi32>
    %add3A_429 = arith.constant 770 : i32
    %add3A_430 = vector.broadcast %add3A_429 : i32 to vector<16xi32>
    %add3A_431 = arith.addi %mul3A_428, %add3A_430 : vector<16xi32>
    %gather3A_432 = tpu.vector_load_idx %arg11[%add3A_431] : memref<1024xf32, #tpu.memory_space<vmem>>[vector<16xi32>], vector<16xf32>,
    %min3A_433 = arith.minimumf %min3A_425, %gather3A_432 : vector<16xf32>
    %mul3A_434 = arith.constant 16 : i32
    %mul3A_435 = vector.broadcast %mul3A_434 : i32 to vector<16xi32>
    %mul3A_436 = arith.muli %iota3A, %mul3A_435 : vector<16xi32>
    %add3A_437 = arith.constant 771 : i32
    %add3A_438 = vector.broadcast %add3A_437 : i32 to vector<16xi32>
    %add3A_439 = arith.addi %mul3A_436, %add3A_438 : vector<16xi32>
    %gather3A_440 = tpu.vector_load_idx %arg11[%add3A_439] : memref<1024xf32, #tpu.memory_space<vmem>>[vector<16xi32>], vector<16xf32>,
    %min3A_441 = arith.minimumf %min3A_433, %gather3A_440 : vector<16xf32>
    %mul3A_442 = arith.constant 16 : i32
    %mul3A_443 = vector.broadcast %mul3A_442 : i32 to vector<16xi32>
    %mul3A_444 = arith.muli %iota3A, %mul3A_443 : vector<16xi32>
    %add3A_445 = arith.constant 772 : i32
    %add3A_446 = vector.broadcast %add3A_445 : i32 to vector<16xi32>
    %add3A_447 = arith.addi %mul3A_444, %add3A_446 : vector<16xi32>
    %gather3A_448 = tpu.vector_load_idx %arg11[%add3A_447] : memref<1024xf32, #tpu.memory_space<vmem>>[vector<16xi32>], vector<16xf32>,
    %min3A_449 = arith.minimumf %min3A_441, %gather3A_448 : vector<16xf32>
    %mul3A_450 = arith.constant 16 : i32
    %mul3A_451 = vector.broadcast %mul3A_450 : i32 to vector<16xi32>
    %mul3A_452 = arith.muli %iota3A, %mul3A_451 : vector<16xi32>
    %add3A_453 = arith.constant 773 : i32
    %add3A_454 = vector.broadcast %add3A_453 : i32 to vector<16xi32>
    %add3A_455 = arith.addi %mul3A_452, %add3A_454 : vector<16xi32>
    %gather3A_456 = tpu.vector_load_idx %arg11[%add3A_455] : memref<1024xf32, #tpu.memory_space<vmem>>[vector<16xi32>], vector<16xf32>,
    %min3A_457 = arith.minimumf %min3A_449, %gather3A_456 : vector<16xf32>
    %mul3A_458 = arith.constant 16 : i32
    %mul3A_459 = vector.broadcast %mul3A_458 : i32 to vector<16xi32>
    %mul3A_460 = arith.muli %iota3A, %mul3A_459 : vector<16xi32>
    %add3A_461 = arith.constant 774 : i32
    %add3A_462 = vector.broadcast %add3A_461 : i32 to vector<16xi32>
    %add3A_463 = arith.addi %mul3A_460, %add3A_462 : vector<16xi32>
    %gather3A_464 = tpu.vector_load_idx %arg11[%add3A_463] : memref<1024xf32, #tpu.memory_space<vmem>>[vector<16xi32>], vector<16xf32>,
    %min3A_465 = arith.minimumf %min3A_457, %gather3A_464 : vector<16xf32>
    %mul3A_466 = arith.constant 16 : i32
    %mul3A_467 = vector.broadcast %mul3A_466 : i32 to vector<16xi32>
    %mul3A_468 = arith.muli %iota3A, %mul3A_467 : vector<16xi32>
    %add3A_469 = arith.constant 775 : i32
    %add3A_470 = vector.broadcast %add3A_469 : i32 to vector<16xi32>
    %add3A_471 = arith.addi %mul3A_468, %add3A_470 : vector<16xi32>
    %gather3A_472 = tpu.vector_load_idx %arg11[%add3A_471] : memref<1024xf32, #tpu.memory_space<vmem>>[vector<16xi32>], vector<16xf32>,
    %min3A_473 = arith.minimumf %min3A_465, %gather3A_472 : vector<16xf32>
    %mul3A_474 = arith.constant 16 : i32
    %mul3A_475 = vector.broadcast %mul3A_474 : i32 to vector<16xi32>
    %mul3A_476 = arith.muli %iota3A, %mul3A_475 : vector<16xi32>
    %add3A_477 = arith.constant 776 : i32
    %add3A_478 = vector.broadcast %add3A_477 : i32 to vector<16xi32>
    %add3A_479 = arith.addi %mul3A_476, %add3A_478 : vector<16xi32>
    %gather3A_480 = tpu.vector_load_idx %arg11[%add3A_479] : memref<1024xf32, #tpu.memory_space<vmem>>[vector<16xi32>], vector<16xf32>,
    %min3A_481 = arith.minimumf %min3A_473, %gather3A_480 : vector<16xf32>
    %mul3A_482 = arith.constant 16 : i32
    %mul3A_483 = vector.broadcast %mul3A_482 : i32 to vector<16xi32>
    %mul3A_484 = arith.muli %iota3A, %mul3A_483 : vector<16xi32>
    %add3A_485 = arith.constant 777 : i32
    %add3A_486 = vector.broadcast %add3A_485 : i32 to vector<16xi32>
    %add3A_487 = arith.addi %mul3A_484, %add3A_486 : vector<16xi32>
    %gather3A_488 = tpu.vector_load_idx %arg11[%add3A_487] : memref<1024xf32, #tpu.memory_space<vmem>>[vector<16xi32>], vector<16xf32>,
    %min3A_489 = arith.minimumf %min3A_481, %gather3A_488 : vector<16xf32>
    %mul3A_490 = arith.constant 16 : i32
    %mul3A_491 = vector.broadcast %mul3A_490 : i32 to vector<16xi32>
    %mul3A_492 = arith.muli %iota3A, %mul3A_491 : vector<16xi32>
    %add3A_493 = arith.constant 778 : i32
    %add3A_494 = vector.broadcast %add3A_493 : i32 to vector<16xi32>
    %add3A_495 = arith.addi %mul3A_492, %add3A_494 : vector<16xi32>
    %gather3A_496 = tpu.vector_load_idx %arg11[%add3A_495] : memref<1024xf32, #tpu.memory_space<vmem>>[vector<16xi32>], vector<16xf32>,
    %min3A_497 = arith.minimumf %min3A_489, %gather3A_496 : vector<16xf32>
    %mul3A_498 = arith.constant 16 : i32
    %mul3A_499 = vector.broadcast %mul3A_498 : i32 to vector<16xi32>
    %mul3A_500 = arith.muli %iota3A, %mul3A_499 : vector<16xi32>
    %add3A_501 = arith.constant 779 : i32
    %add3A_502 = vector.broadcast %add3A_501 : i32 to vector<16xi32>
    %add3A_503 = arith.addi %mul3A_500, %add3A_502 : vector<16xi32>
    %gather3A_504 = tpu.vector_load_idx %arg11[%add3A_503] : memref<1024xf32, #tpu.memory_space<vmem>>[vector<16xi32>], vector<16xf32>,
    %min3A_505 = arith.minimumf %min3A_497, %gather3A_504 : vector<16xf32>
    %mul3A_506 = arith.constant 16 : i32
    %mul3A_507 = vector.broadcast %mul3A_506 : i32 to vector<16xi32>
    %mul3A_508 = arith.muli %iota3A, %mul3A_507 : vector<16xi32>
    %add3A_509 = arith.constant 780 : i32
    %add3A_510 = vector.broadcast %add3A_509 : i32 to vector<16xi32>
    %add3A_511 = arith.addi %mul3A_508, %add3A_510 : vector<16xi32>
    %gather3A_512 = tpu.vector_load_idx %arg11[%add3A_511] : memref<1024xf32, #tpu.memory_space<vmem>>[vector<16xi32>], vector<16xf32>,
    %min3A_513 = arith.minimumf %min3A_505, %gather3A_512 : vector<16xf32>
    %mul3A_514 = arith.constant 16 : i32
    %mul3A_515 = vector.broadcast %mul3A_514 : i32 to vector<16xi32>
    %mul3A_516 = arith.muli %iota3A, %mul3A_515 : vector<16xi32>
    %add3A_517 = arith.constant 781 : i32
    %add3A_518 = vector.broadcast %add3A_517 : i32 to vector<16xi32>
    %add3A_519 = arith.addi %mul3A_516, %add3A_518 : vector<16xi32>
    %gather3A_520 = tpu.vector_load_idx %arg11[%add3A_519] : memref<1024xf32, #tpu.memory_space<vmem>>[vector<16xi32>], vector<16xf32>,
    %min3A_521 = arith.minimumf %min3A_513, %gather3A_520 : vector<16xf32>
    %mul3A_522 = arith.constant 16 : i32
    %mul3A_523 = vector.broadcast %mul3A_522 : i32 to vector<16xi32>
    %mul3A_524 = arith.muli %iota3A, %mul3A_523 : vector<16xi32>
    %add3A_525 = arith.constant 782 : i32
    %add3A_526 = vector.broadcast %add3A_525 : i32 to vector<16xi32>
    %add3A_527 = arith.addi %mul3A_524, %add3A_526 : vector<16xi32>
    %gather3A_528 = tpu.vector_load_idx %arg11[%add3A_527] : memref<1024xf32, #tpu.memory_space<vmem>>[vector<16xi32>], vector<16xf32>,
    %min3A_529 = arith.minimumf %min3A_521, %gather3A_528 : vector<16xf32>
    %mul3A_530 = arith.constant 16 : i32
    %mul3A_531 = vector.broadcast %mul3A_530 : i32 to vector<16xi32>
    %mul3A_532 = arith.muli %iota3A, %mul3A_531 : vector<16xi32>
    %add3A_533 = arith.constant 783 : i32
    %add3A_534 = vector.broadcast %add3A_533 : i32 to vector<16xi32>
    %add3A_535 = arith.addi %mul3A_532, %add3A_534 : vector<16xi32>
    %gather3A_536 = tpu.vector_load_idx %arg11[%add3A_535] : memref<1024xf32, #tpu.memory_space<vmem>>[vector<16xi32>], vector<16xf32>,
    %min3A_537 = arith.minimumf %min3A_529, %gather3A_536 : vector<16xf32>
    %swap3A_538 = arith.constant 48 : index
    %swap3A_539 = tpu.vector_load %arg12[%swap3A_538] {strides = array<i32>} : memref<64xf32, #tpu.memory_space<vmem>>, vector<16xf32>,
    tpu.vector_store %arg12[%swap3A_538], %min3A_537 {strides = array<i32>} : memref<64xf32, #tpu.memory_space<vmem>>, vector<16xf32>,
    "tpu.region"() ({
      %run_scoped3A = tpu.sem_alloc : memref<!tpu.dma_semaphore, #tpu.memory_space<semaphore_mem>>
      %dma_start3A = arith.constant 0 : i32
      %dma_start3A_540 = tpu.memref_slice %arg4[%add3A, %dma_start3A] : memref<32x64xf32, #tpu.memory_space<hbm>> -> memref<1x64xf32, #tpu.memory_space<hbm>>
      %dma_start3A_541 = tpu.memref_squeeze %dma_start3A_540 : memref<1x64xf32, #tpu.memory_space<hbm>> -> memref<64xf32, #tpu.memory_space<hbm>>
      %dma_start3A_542 = arith.constant 0 : i32
      %dma_start3A_543 = tpu.memref_slice %arg4[%add3A, %dma_start3A_542] : memref<32x64xf32, #tpu.memory_space<hbm>> -> memref<1x64xf32, #tpu.memory_space<hbm>>
      %dma_start3A_544 = tpu.memref_squeeze %dma_start3A_543 : memref<1x64xf32, #tpu.memory_space<hbm>> -> memref<64xf32, #tpu.memory_space<hbm>>
      tpu.enqueue_dma source(%arg12 : memref<64xf32, #tpu.memory_space<vmem>>) target(%dma_start3A_544 : memref<64xf32, #tpu.memory_space<hbm>>) target_semaphore(%run_scoped3A : memref<!tpu.dma_semaphore, #tpu.memory_space<semaphore_mem>>)
      %dma_wait3A = arith.constant 0 : i32
      %dma_wait3A_545 = tpu.memref_slice %arg4[%add3A, %dma_wait3A] : memref<32x64xf32, #tpu.memory_space<hbm>> -> memref<1x64xf32, #tpu.memory_space<hbm>>
      %dma_wait3A_546 = tpu.memref_squeeze %dma_wait3A_545 : memref<1x64xf32, #tpu.memory_space<hbm>> -> memref<64xf32, #tpu.memory_space<hbm>>
      %dma_wait3A_547 = arith.constant 0 : i32
      %dma_wait3A_548 = tpu.memref_slice %arg4[%add3A, %dma_wait3A_547] : memref<32x64xf32, #tpu.memory_space<hbm>> -> memref<1x64xf32, #tpu.memory_space<hbm>>
      %dma_wait3A_549 = tpu.memref_squeeze %dma_wait3A_548 : memref<1x64xf32, #tpu.memory_space<hbm>> -> memref<64xf32, #tpu.memory_space<hbm>>
      tpu.wait_dma2 semaphore(%run_scoped3A : memref<!tpu.dma_semaphore, #tpu.memory_space<semaphore_mem>>) src(%arg12 : memref<64xf32, #tpu.memory_space<vmem>>) dst(%dma_wait3A_549 : memref<64xf32, #tpu.memory_space<hbm>>)
      tpu.yield
    }) : () -> ()
    return
  }
}

module attributes {stable_mosaic.version = 14 : i64} {
  func.func @_tc_body(%arg0: i32, %arg1: memref<2048x3xf32, #tpu.memory_space<vmem>>, %arg2: memref<2048x3xf32, #tpu.memory_space<vmem>>, %arg3: memref<1x2048xf32, #tpu.memory_space<vmem>>) attributes {dimension_semantics = [#tpu.dimension_semantics<arbitrary>], iteration_bounds = array<i64: 14>, scalar_prefetch = 0 : i64, scratch_operands = 0 : i64, tpu.core_type = #tpu.core_type<tc>, window_params = [{transform_indices = @transform_0, window_bounds = array<i64: 2048, 3>}, {pipeline_mode = #tpu.pipeline_mode<synchronous>, transform_indices = @transform_1, window_bounds = array<i64: 2048, 3>}, {pipeline_mode = #tpu.pipeline_mode<synchronous>, transform_indices = @transform_2, window_bounds = array<i64: 1, 2048>}]} {
    %get3A = arith.constant 0 : index
    %get3A_0 = arith.constant 0 : index
    %get3A_1 = vector.load %arg1[%get3A, %get3A_0] : memref<2048x3xf32, #tpu.memory_space<vmem>>, vector<2048x3xf32>
    %get3A_2 = arith.constant 0 : index
    %get3A_3 = arith.constant 0 : index
    %get3A_4 = vector.load %arg2[%get3A_2, %get3A_3] : memref<2048x3xf32, #tpu.memory_space<vmem>>, vector<2048x3xf32>
    %mul3A = arith.mulf %get3A_1, %get3A_1 : vector<2048x3xf32>
    %reduce_sum3A = arith.constant dense<0.000000e+00> : vector<2048xf32>
    %reduce_sum3A_5 = vector.multi_reduction <add>, %mul3A, %reduce_sum3A [1] : vector<2048x3xf32> to vector<2048xf32>
    %broadcast_in_dim3A = vector.shape_cast %reduce_sum3A_5 : vector<2048xf32> to vector<2048x1xf32>
    %convert_element_type3A = arith.truncf %get3A_1 : vector<2048x3xf32> to vector<2048x3xbf16>
    %convert_element_type3A_6 = arith.truncf %get3A_4 : vector<2048x3xf32> to vector<2048x3xbf16>
    %mul3A_7 = arith.constant -2.000000e+00 : bf16
    %mul3A_8 = vector.broadcast %mul3A_7 : bf16 to vector<2048x3xbf16>
    %mul3A_9 = arith.mulf %convert_element_type3A_6, %mul3A_8 : vector<2048x3xbf16>
    %dot_general3A = arith.constant dense<0.000000e+00> : vector<2048x2048xf32>
    %dot_general3A_10 = tpu.matmul %convert_element_type3A, %mul3A_9, %dot_general3A {dimension_numbers = #tpu.dot_dimension_numbers<[1], [1], [0], [0], [0, 0, 1, 0], [], []>, transpose_lhs_hint = false} : vector<2048x3xbf16>, vector<2048x3xbf16>, vector<2048x2048xf32> -> vector<2048x2048xf32>
    %add3A = vector.broadcast %broadcast_in_dim3A : vector<2048x1xf32> to vector<2048x2048xf32>
    %add3A_11 = arith.addf %dot_general3A_10, %add3A : vector<2048x2048xf32>
    %reduce_min3A = arith.constant dense<0x7F800000> : vector<2048xf32>
    %reduce_min3A_12 = vector.multi_reduction <minimumf>, %add3A_11, %reduce_min3A [0] : vector<2048x2048xf32> to vector<2048xf32>
    %broadcast_in_dim3A_13 = vector.shape_cast %reduce_min3A_12 : vector<2048xf32> to vector<1x2048xf32>
    %mul3A_14 = arith.mulf %get3A_4, %get3A_4 : vector<2048x3xf32>
    %reduce_sum3A_15 = arith.constant dense<0.000000e+00> : vector<2048xf32>
    %reduce_sum3A_16 = vector.multi_reduction <add>, %mul3A_14, %reduce_sum3A_15 [1] : vector<2048x3xf32> to vector<2048xf32>
    %broadcast_in_dim3A_17 = vector.shape_cast %reduce_sum3A_16 : vector<2048xf32> to vector<1x2048xf32>
    %add3A_18 = arith.addf %broadcast_in_dim3A_13, %broadcast_in_dim3A_17 : vector<1x2048xf32>
    %eq3A = arith.constant 0 : i32
    %eq3A_19 = arith.cmpi eq, %arg0, %eq3A : i32
    %convert_element_type3A_20 = arith.extui %eq3A_19 : i1 to i32
    %cond3A = arith.constant 0 : i32
    %cond3A_21 = arith.cmpi ne, %convert_element_type3A_20, %cond3A : i32
    scf.if %cond3A_21 {
      %swap3A = arith.constant 0 : index
      %swap3A_26 = arith.constant 0 : index
      %swap3A_27 = vector.load %arg3[%swap3A, %swap3A_26] : memref<1x2048xf32, #tpu.memory_space<vmem>>, vector<1x2048xf32>
      tpu.vector_store %arg3[%swap3A, %swap3A_26], %add3A_18 {strides = array<i32>} : memref<1x2048xf32, #tpu.memory_space<vmem>>, vector<1x2048xf32>,
    } else {
    }
    %gt3A = arith.constant 0 : i32
    %gt3A_22 = arith.cmpi sgt, %arg0, %gt3A : i32
    %convert_element_type3A_23 = arith.extui %gt3A_22 : i1 to i32
    %cond3A_24 = arith.constant 0 : i32
    %cond3A_25 = arith.cmpi ne, %convert_element_type3A_23, %cond3A_24 : i32
    scf.if %cond3A_25 {
      %get3A_26 = arith.constant 0 : index
      %get3A_27 = arith.constant 0 : index
      %get3A_28 = vector.load %arg3[%get3A_26, %get3A_27] : memref<1x2048xf32, #tpu.memory_space<vmem>>, vector<1x2048xf32>
      %min3A = arith.minimumf %get3A_28, %add3A_18 : vector<1x2048xf32>
      %swap3A = arith.constant 0 : index
      %swap3A_29 = arith.constant 0 : index
      %swap3A_30 = vector.load %arg3[%swap3A, %swap3A_29] : memref<1x2048xf32, #tpu.memory_space<vmem>>, vector<1x2048xf32>
      tpu.vector_store %arg3[%swap3A, %swap3A_29], %min3A {strides = array<i32>} : memref<1x2048xf32, #tpu.memory_space<vmem>>, vector<1x2048xf32>,
    } else {
    }
    return
  }
  func.func @transform_0(%arg0: i32) -> (i32, i32) {
    %add3A = arith.constant 2 : i32
    %add3A_0 = arith.addi %arg0, %add3A : i32
    %c0_i32 = arith.constant 0 : i32
    %c0_i32_1 = arith.constant 0 : i32
    return %add3A_0, %c0_i32 : i32, i32
  }
  func.func @transform_1(%arg0: i32) -> (i32, i32) {
    %c0_i32 = arith.constant 0 : i32
    %c0_i32_0 = arith.constant 0 : i32
    %c0_i32_1 = arith.constant 0 : i32
    return %c0_i32, %c0_i32_0 : i32, i32
  }
  func.func @transform_2(%arg0: i32) -> (i32, i32) {
    %c0_i32 = arith.constant 0 : i32
    %c0_i32_0 = arith.constant 0 : i32
    %c0_i32_1 = arith.constant 0 : i32
    return %c0_i32, %c0_i32_0 : i32, i32
  }
}

</mosaic_0001>

<sc_bundles>
// kernel: kernel.4.cloned.1.call-start
scs
__scs_entry_jumppad:
0x0: {  	(pc) =	sbr.rel $0x88, $3  }
0x1: {  	(tag) =	ssettag $0x0;
	lr =	simm.s32 $0x1  }
0x2: {  	[smem:$0x3F9F] =	sst lr;
	_ =	strace $0xD0000000  }
0x3: {  	_ = 	snop  }
0x4: {  	_ = 	snop  }
0x5: {  	_ = 	snop  }
0x6: {  	_ = 	snop  }
0x7: {  	_ = 	snop  }
__scs_overlays_trampoline_lowered:
0x8: {  	[smem:$0x3FAE] =	sst s0  }
0x9: {  	[smem:$0x3FAF] =	sst s1  }
0xa: {  	[smem:$0x3FB0] =	sst s2  }
0xb: {  	[smem:$0x3FB1] =	sst s3  }
0xc: {  	[smem:$0x3FB2] =	sst s4  }
0xd: {  	[smem:$0x3FB3] =	sst s5  }
0xe: {  	[smem:$0x3FB4] =	sst s6  }
0xf: {  	[smem:$0x3FB5] =	sst s7  }
0x10: {  	[smem:$0x3FB6] =	sst s8  }
0x11: {  	[smem:$0x3FB7] =	sst s9;
	s0 =	simm.s32 @!p0 $0x0  }
0x12: {  	s1 =	sld [smem:$0x3F9D];
	s0 =	simm.s32 @p0 $0x1  }
0x13: {  	[smem:$0x3FB8] =	sst s0;
	s0 =	simm.s32 @!p1 $0x0  }
0x14: {  	s2 =	sld [smem:$0x3F9C];
	s0 =	simm.s32 @p1 $0x1  }
0x15: {  	[smem:$0x3FB9] =	sst s0;
	s0 =	simm.s32 @!p2 $0x0  }
0x16: {  	s3 =	sld [smem:$0x3FDB];
	s0 =	simm.s32 @p2 $0x1  }
0x17: {  	s4 =	simm.s32 $0x1BF5;
	[smem:$0x3FBB] =	sst s0  }
0x18: {  	s0 =	sld [smem:$0x3F9E];
	_ =	swait.ge [sflag:s4], $0x0  }
0x19: {  	s7 =	sld [smem:$0x3F9F]  }
0x1a: {  	s8 =	sadd.s32 $0xFFFFE003, lr  }
0x1b: {  	s9 =	sadd.s32 $0xFFFFFEF7, lr;
	s5 =	simm.s32 $0xFFFFFFFF;
	p2 =	slt.u32 s8, $0xFFFFF086  }
0x1c: {  	p1 =	slt.u32 s9, $0xF7A;
	s5 =	simm.s32 @!p2 $0x0  }
0x1d: {  	s5 =	simm.s32 @p1 $0x1;
	p0 =	seq.s32 s7, s2  }
0x1e: {  	s7 =	smul.u32 @!p0 $0xF7A, s2;
	p2 =	seq.s32 @!p0 s5, $0x0  }
0x1f: {  	s9 =	smul.u32 $0xF7A, s1;
	s8 =	simm.s32 @!p0 $0x1BF5;
	p2 =	por !p2, p0  }
0x20: {  	[sflag:s8] =	ssyncset.s32 @!p0 $0xFFFFF086;
	s6 =	sadd.s32 @!p0 s3, s7;
	s7 =	simm.s32 @!p0 $0x108  }
0x21: {  	s3 =	sadd.s32 s3, s9;
	s6 =	sadd.s32 @!p0 $0x88, s6;
	s7 =	simm.s32 @p2 $0x1082  }
0x22: {  	[simem:s7], [sflag:s8] =	dma.local @!p0 [hbm:s6], $0xF7A  }
0x23: {  	s9 =	sor.u32 $0xD0000000, s2;
	s6 =	simm.s32 $0x108;
	_ =	swait.ge @!p0 [sflag:s8], $0x0  }
0x24: {  	s3 =	sadd.s32 $0x88, s3;
	s6 =	simm.s32 @!p1 $0x1082;
	[sflag:s4] =	ssyncset.s32 $0xFFFFF086  }
0x25: {  	[simem:s6], [sflag:s4] =	dma.local [hbm:s3], $0xF7A  }
0x26: {  	[smem:$0x3F9F] =	sst s1;
	(tag) =	ssettag s2;
	_ =	strace s9  }
0x27: {  	s1 =	sld [smem:$0x3FAF]  }
0x28: {  	s2 =	sld [smem:$0x3FB0]  }
0x29: {  	s4 =	sld [smem:$0x3FB2]  }
0x2a: {  	p0 =	seq.s32 s5, $0x0;
	s5 =	sld [smem:$0x3FB3]  }
0x2b: {  	s6 =	sld [smem:$0x3FB4]  }
0x2c: {  	s7 =	sld [smem:$0x3FB5]  }
0x2d: {  	s3 =	simm.s32 $0x108;
	s8 =	sld [smem:$0x3FB6]  }
0x2e: {  	s3 =	simm.s32 @!p0 $0x1082;
	s9 =	sld [smem:$0x3FB7]  }
0x2f: {  	lr =	sadd.s32 s0, s3;
	s0 =	sld [smem:$0x3FAE]  }
0x30: {  	s3 =	sld [smem:$0x3FB1]  }
0x31: {  	[smem:$0x3FBA] =	sst s10  }
0x32: {  	s10 =	sld [smem:$0x3FB8];
	_ =	sdelay $0x3  }
0x33: {  	p0 =	seq.s32 s10, $0x1;
	s10 =	sld [smem:$0x3FBA];
	_ =	sdelay $0x3  }
0x34: {  	[smem:$0x3FBA] =	sst s10  }
0x35: {  	s10 =	sld [smem:$0x3FB9];
	_ =	sdelay $0x3  }
0x36: {  	p1 =	seq.s32 s10, $0x1;
	s10 =	sld [smem:$0x3FBA];
	_ =	sdelay $0x3  }
0x37: {  	[smem:$0x3FBA] =	sst s10  }
0x38: {  	s10 =	sld [smem:$0x3FBB]  }
0x39: {  	_ = 	snop;
	(pc) =	sbr.ind lr, $3  }
0x3a: {  	_ = 	snop  }
0x3b: {  	_ = 	snop  }
0x3c: {  	p2 =	seq.s32 s10, $0x1;
	s10 =	sld [smem:$0x3FBA]  }
0x3d: {  	_ =	shalt  }
0x3e: {  	_ =	shalt  }
0x3f: {  	_ =	shalt  }
0x40: {  	_ =	shalt  }
0x41: {  	_ =	shalt  }
0x42: {  	_ =	shalt  }
0x43: {  	_ =	shalt  }
0x44: {  	_ =	shalt  }
0x45: {  	_ =	shalt  }
0x46: {  	_ =	shalt  }
0x47: {  	_ =	shalt  }
0x48: {  	_ =	shalt  }
0x49: {  	_ =	shalt  }
0x4a: {  	_ =	shalt  }
0x4b: {  	_ =	shalt  }
0x4c: {  	_ =	shalt  }
0x4d: {  	_ =	shalt  }
0x4e: {  	_ =	shalt  }
0x4f: {  	_ =	shalt  }
0x50: {  	_ =	shalt  }
0x51: {  	_ =	shalt  }
0x52: {  	_ =	shalt  }
0x53: {  	_ =	shalt  }
0x54: {  	_ =	shalt  }
0x55: {  	_ =	shalt  }
0x56: {  	_ =	shalt  }
0x57: {  	_ =	shalt  }
0x58: {  	_ =	shalt  }
0x59: {  	_ =	shalt  }
0x5a: {  	_ =	shalt  }
0x5b: {  	_ =	shalt  }
0x5c: {  	_ =	shalt  }
0x5d: {  	_ =	shalt  }
0x5e: {  	_ =	shalt  }
0x5f: {  	_ =	shalt  }
0x60: {  	_ =	shalt  }
0x61: {  	_ =	shalt  }
0x62: {  	_ =	shalt  }
0x63: {  	_ =	shalt  }
0x64: {  	_ =	shalt  }
0x65: {  	_ =	shalt  }
0x66: {  	_ =	shalt  }
0x67: {  	_ =	shalt  }
0x68: {  	_ =	shalt  }
0x69: {  	_ =	shalt  }
0x6a: {  	_ =	shalt  }
0x6b: {  	_ =	shalt  }
0x6c: {  	_ =	shalt  }
0x6d: {  	_ =	shalt  }
0x6e: {  	_ =	shalt  }
0x6f: {  	_ =	shalt  }
0x70: {  	_ =	shalt  }
0x71: {  	_ =	shalt  }
0x72: {  	_ =	shalt  }
0x73: {  	_ =	shalt  }
0x74: {  	_ =	shalt  }
0x75: {  	_ =	shalt  }
0x76: {  	_ =	shalt  }
0x77: {  	_ =	shalt  }
0x78: {  	_ =	shalt  }
0x79: {  	_ =	shalt  }
0x7a: {  	_ =	shalt  }
0x7b: {  	_ =	shalt  }
0x7c: {  	_ =	shalt  }
0x7d: {  	_ =	shalt  }
0x7e: {  	_ =	shalt  }
0x7f: {  	_ =	shalt  }
0x80: {  	_ =	shalt  }
0x81: {  	_ =	shalt  }
0x82: {  	_ =	shalt  }
0x83: {  	_ =	shalt  }
0x84: {  	_ =	shalt  }
0x85: {  	_ =	shalt  }
0x86: {  	_ =	shalt  }
0x87: {  	_ =	shalt  }
.Lfunc_end0:
.L_simem_size_0:
called_computation_lowered:
.L_overlay_start_0:
0x88: {  	s2 =	sld [smem:$0x3FD9]  }
0x89: {  	s3 =	sld [smem:$0x3FFE];
	_ =	sdelay $0x1  }
0x8a: {  	s1 =	srdreg.scid  }
0x8b: {  	s0 =	sand.u32 $0x1, s1  }
0x8c: {  	s16 =	sshll.u32 s0, $0xA;
	s2 =	sadd.s32 s3, s2  }
0x8d: {  	s2 =	sadd.s32 s2, s16  }
0x8e: {  	[smem:$0x3FC6] =	sst s2  }
0x8f: {  	_ = 	snop  }
0x90: {  	(tm) =	ssettm $0x1  }
0x91: {  	s17 =	sld [smem:$0x3FFB];
	_ =	sdelay $0x3  }
0x92: {  	_ =	strace s17  }
0x93: {  	s2 =	sld [smem:$0x3FFC];
	_ =	sdelay $0x3  }
0x94: {  	_ =	strace s2  }
0x95: {  	s2 =	sld [smem:$0x3FFD];
	_ =	sdelay $0x3  }
0x96: {  	_ =	strace s2  }
0x97: {  	_ =	strace $0x8FFFFFFF  }
0x98: {  	s18 =	sld [smem:$0x3FDB];
	_ =	sdelay $0x1  }
0x99: {  	s19 =	simm.s32 $_scs_section_size  }
0x9a: {  	s4 =	simm.s32 $_size__tile_overlayer_lowered;
	s5 =	simm.s32 $_tile_overlayer_lowered  }
0x9b: {  	s22 =	simm.s32 $0x1BFF;
	s21 =	sshll.u32 s5, $0x1;
	s2 =	sadd.s32 s19, s18  }
0x9c: {  	s6 =	simm.s32 $0x0;
	s20 =	sshll.u32 s4, $0x1;
	s4 =	sadd.s32 s21, s2  }
0x9d: {  	[timem:s6], [sflag:s22] =	dma.local [hbm:s4], s20  }
0x9e: {  	_ =	swait.ge [sflag:s22], s20  }
0x9f: {  	s3 =	ssub.s32 $0x0, s20;
	[sflag:s22] =	ssyncset.done $0x0  }
0xa0: {  	[sflag:s22] =	ssyncadd.s32 s3;
	_ =	sdelay $0x1  }
0xa1: {  	s23 =	simm.s32 $0x1B8B  }
0xa2: {  	_ =	swait.ge [sflag:s23], $0x1  }
0xa3: {  	[sflag:s23] =	ssyncset.done $0x0  }
0xa4: {  	s25 =	simm.s32 $0x1B8E;
	s24 =	sld [smem:$0x3FFE];
	[sflag:s23] =	ssyncadd.s32 $0xFFFFFFFF  }
0xa5: {  	s26 =	simm.s32 $execute0_lowered;
	[smem:$0x3FD2] =	sst s25  }
0xa6: {  	s4 =	sshll.u32 s26, $0x1;
	_ =	strace $0x80000046;
	[dreg:$0x1] =	wrdreg $0xFFFFFFFF  }
0xa7: {  	s28 =	simm.s32 $_size_execute0_lowered;
	s2 =	sadd.s32 s2, s4;
	[dreg:$0x0] =	wrdreg $0x0  }
0xa8: {  	s4 =	sshll.u32 s28, $0x1;
	[dreg:$0x2] =	wrdreg s2  }
0xa9: {  	[dreg:$0x3] =	wrdreg s4  }
0xaa: {  	[dreg:$0x4] =	wrdreg $0xC0  }
0xab: {  	_ =	task [dreg:s6], $0x5FFFF  }
0xac: {  	[dreg:$0x1] =	wrdreg $0xFFFFFFFF  }
0xad: {  	[dreg:$0x0] =	wrdreg $0x60  }
0xae: {  	[dreg:$0x2] =	wrdreg s24  }
0xaf: {  	[dreg:$0x3] =	wrdreg $0x9  }
0xb0: {  	_ =	task.clear_ibuf [dreg:s6], $0x4FFFF;
	_ =	strace $0x90000046  }
0xb1: {  	s29 =	simm.s32 $0x9;
	_ =	strace $0x80000048  }
0xb2: {  	_ =	swait.ge [sflag:s29], $0x1  }
0xb3: {  	[sflag:s29] =	ssyncadd.s32 $0xFFFFFFFF  }
0xb4: {  	_ =	strace $0x90000048  }
0xb5: {  	_ =	sfence  }
0xb6: {  	s30 =	sld [smem:$0x0];
	_ =	sdelay $0x2  }
0xb7: {  	s31 =	sshll.u32 s1, $0xD;
	s1 =	sshrl.u32 s1, $0x2  }
0xb8: {  	s3 =	sand.u32 $0x4000, s31;
	s1 =	sadd.s32 s1, s30  }
0xb9: {  	s0 =	sor.u32 s3, s0;
	s1 =	sshll.u32 s1, $0x11  }
0xba: {  	s0 =	sor.u32 s1, s0  }
0xbb: {  	s0 =	sadd.s32 $0x8F2B, s0  }
0xbc: {  	[sflag:s0] =	ssyncadd.remote.s32 $0x1  }
0xbd: {  	_ =	sfence.sel $0xFFFF  }
0xbe: {  	[dreg:$0x0] =	wrdreg $0xFFFFFFFF;
	(pc) =	sbr.abs _section_cstart, $3  }
0xbf: {  	[dreg:$0x1] =	wrdreg $0xFFFFFFFF  }
0xc0: {  	_ =	task.clear_ibuf [dreg:s6], $0x2FFFF;
	_ =	strace $0x9FFFFFFF  }
0xc1: {  	(tm) =	ssettm $0x7FFFFFFF  }
tec
execute0_lowered:
.L_overlay_start_1:
0x0: {  	(tag) =	ssettag $0x1  }
0x1: {  	v1 =	vlaneseq.u32  }
0x2: {  	s1 =	rddreg [dreg:$0x0];
	s3 =	simm.s32 $0x0;
	v0 =	vmul.u32 $0x3, v1;
	v1 =	vmul.u32 $0x10, v1  }
0x3: {  	[smem:$0x7FF] =	sst s3  }
0x4: {  	s0 =	rddreg [dreg:$0x1];
	_ =	strace $0x80000047;
	[tilespmem:$0x1FFC0] =	vst v1  }
0x5: {  	v4 =	vor.u32 $0x1, v1;
	[tilespmem:$0x1FFE0] =	vst v0  }
0x6: {  	s2 =	srdreg.scid;
	v2 =	vadd.s32 $0x1, v0;
	[tilespmem:$0x1FF40] =	vst v4  }
0x7: {  	s10 =	simm.s32 $0x40;
	s11 =	simm.s32 $0x80;
	s12 =	simm.s32 $0x100;
	v4 =	vor.u32 $0x2, v1;
	[tilespmem:$0x1FFF0] =	vst v2  }
0x8: {  	s13 =	simm.s32 $0x7100;
	s14 =	simm.s32 $0x7500;
	s4 =	sand.u32 $0x1, s2;
	[tilespmem:$0x1FF50] =	vst v4;
	v4 =	vor.u32 $0x3, v1  }
0x9: {  	s15 =	simm.s32 $0x0;
	s2 =	stileid.u32;
	s5 =	sshll.u32 s4, $0x4;
	[tilespmem:$0x1FF60] =	vst v4;
	v4 =	vor.u32 $0x4, v1  }
0xa: {  	s7 =	sshll.u32 s2, $0x4;
	s4 =	ssub.s32 $0x2, s4;
	s5 =	sor.u32 s2, s5;
	[tilespmem:$0x1FF70] =	vst v4;
	v4 =	vor.u32 $0x5, v1  }
0xb: {  	s7 =	sand.u32 $0x70, s7;
	s8 =	sshrl.u32 s4, $0x1;
	s6 =	sshll.u32 s5, $0x3;
	[tilespmem:$0x1FF80] =	vst v4;
	v4 =	vor.u32 $0x6, v1  }
0xc: {  	s7 =	sadd.s32 s7, s1;
	s5 =	sshll.u32 s5, $0x4;
	s8 =	ssub.s32 s4, s8;
	[tilespmem:$0x1FF90] =	vst v4;
	v4 =	vor.u32 $0x7, v1  }
0xd: {  	s6 =	sadd.s32 s6, s1;
	s9 =	sand.u32 $0x180, s5;
	s8 =	smax.u32 s8, $0x1;
	[tilespmem:$0x1FFA0] =	vst v4;
	v4 =	vor.u32 $0x8, v1  }
0xe: {  	s4 =	sadd.s32 $0x600, s6;
	s5 =	sadd.s32 $0x700, s6;
	s7 =	sadd.s32 s9, s7;
	v1 =	vor.u32 $0x9, v1;
	[tilespmem:$0x1FFB0] =	vst v4  }
0xf: {  	v3 =	vadd.s32 $0x2, v0;
	s6 =	sadd.s32 $0x800, s6;
	s9 =	simm.s32 $0x1;
	s7 =	sadd.s32 $0xA00, s7;
	[tilespmem:$0x1FFD0] =	vst v1  }
.LBB2_1:
0x10: {  	[tilespmem:s3], [sflag:$0x1] =	stream.linear.gather [hbm4b:s4+s3], $0x40, $0x38;
	[tilespmem:$0x7580] =	vst v63  }
0x11: {  	_ =	swait.ge [sflag:s9], $0x40  }
0x12: {  	[sflag:s9] =	ssyncset.done $0x0  }
0x13: {  	[sflag:s9] =	ssyncadd.s32 $0xFFFFFFC0  }
0x14: {  	[tilespmem:s10], [sflag:$0x1] =	stream.linear.gather [hbm4b:s5+s3], $0x40, $0x38;
	[tilespmem:$0x7580] =	vst v63  }
0x15: {  	_ =	swait.ge [sflag:s9], $0x40  }
0x16: {  	v4 =	vmov s3;
	[sflag:s9] =	ssyncset.done $0x0  }
0x17: {  	v4 =	vmul.u32 $0x3, v4;
	[sflag:s9] =	ssyncadd.s32 $0xFFFFFFC0  }
0x18: {  	[tilespmem:s11], [sflag:$0x1] =	stream.linear.gather [hbm4b:s6+s3], $0x40, $0x38;
	[tilespmem:$0x7580] =	vst v63  }
0x19: {  	v4 =	vbroadcast v4, $0x0;
	_ =	swait.ge [sflag:s9], $0x40  }
0x1a: {  	[sflag:s9] =	ssyncset.done $0x0  }
0x1b: {  	v5 =	vadd.s32 v0, v4;
	[sflag:s9] =	ssyncadd.s32 $0xFFFFFFC0  }
0x1c: {  	v6 =	vadd.s32 v2, v4;
	[tilespmem:s12], [sflag:$0x1] =	stream.linear.gather [hbm4b:s1+s3], $0x3000, $0x38;
	[tilespmem:$0x7580] =	vst v63  }
0x1d: {  	v4 =	vadd.s32 v3, v4;
	_ =	swait.ge [sflag:s9], $0x3000  }
0x1e: {  	[sflag:s9] =	ssyncset.done $0x0  }
0x1f: {  	[sflag:s9] =	ssyncadd.s32 $0xFFFFD000  }
0x20: {  	v16 =	vld.idx.msk [tilespmem:v5+s12+$0x0], $0xffff  }
0x21: {  	s16 =	simm.s32 $0x10;
	v17 =	vld.idx.msk [tilespmem:v6+s12+$0x0], $0xffff  }
0x22: {  	v5 =	vmov s16;
	v15 =	vld.idx.msk [tilespmem:v4+s12+$0x0], $0xffff  }
0x23: {  	v4 =	vmul.u32 $0x3, v5;
	_ =	sdelay $0x1  }
0x24: {  	v5 =	vbroadcast v4, $0x0;
	v4 =	vshrl.u32 v16, $0x10  }
0x25: {  	v6 =	vmul.f32 v16, v16;
	v7 =	vmul.f32 v17, v17;
	v8 =	vshrl.u32 v17, $0x10  }
0x26: {  	s18 =	simm.s32 $0x6100;
	s20 =	simm.s32 $0x4100;
	s21 =	simm.s32 $0x5100;
	v14 =	vadd.s32 v0, v5;
	v13 =	vadd.s32 v2, v5;
	v19 =	vshrl.u32 v15, $0x10  }
0x27: {  	s24 =	simm.s32 $0x20;
	s17 =	simm.s32 $0x4110;
	s19 =	simm.s32 $0x5110;
	v18 =	vadd.s32 v3, v5;
	v4 =	vand.u32 $0x1, v4;
	v8 =	vand.u32 $0x1, v8  }
0x28: {  	s23 =	simm.s32 $0x6100;
	s22 =	simm.s32 $0x3100;
	s16 =	simm.s32 $0x3100;
	v5 =	vand.u32 $0x1, v19;
	v6 =	vadd.f32 v7, v6;
	v7 =	vmul.f32 v15, v15  }
.LBB2_2:
0x29: {  	s18 =	sadd.s32 $0x10, s18  }
0x2a: {  	v6 =	vadd.f32 v7, v6;
	v4 =	vadd.s32 v4, v16;
	v7 =	vadd.s32 v8, v17;
	s16 =	sadd.s32 $0x10, s16;
	s25 =	smov.u32 s24;
	s26 =	sadd.s32 $0x10, s24  }
0x2b: {  	p0 =	sne.s32 s24, $0xFF0;
	v5 =	vadd.s32 v5, v15;
	v4 =	vadd.s32 $0x7FFF, v4;
	v7 =	vadd.s32 $0x7FFF, v7  }
0x2c: {  	v5 =	vadd.s32 $0x7FFF, v5;
	[tilespmem:s23+$0x0] =	vst v6;
	v4 =	vand.u32 $0xFFFF0000, v4;
	s23 =	smov.u32 s18  }
0x2d: {  	[tilespmem:s22+$0x0] =	vst v4;
	v4 =	vand.u32 $0xFFFF0000, v7;
	s22 =	smov.u32 s16  }
0x2e: {  	[tilespmem:s20+$0x0] =	vst v4;
	v4 =	vand.u32 $0xFFFF0000, v5;
	s20 =	smov.u32 s17  }
0x2f: {  	[tilespmem:s21+$0x0] =	vst v4;
	s21 =	smov.u32 s19  }
0x30: {  	v16 =	vld.idx.msk [tilespmem:v14+s12+$0x0], $0xffff  }
0x31: {  	v17 =	vld.idx.msk [tilespmem:v13+s12+$0x0], $0xffff  }
0x32: {  	v15 =	vld.idx.msk [tilespmem:v18+s12+$0x0], $0xffff  }
0x33: {  	v4 =	vmov s25  }
0x34: {  	v4 =	vmul.u32 $0x3, v4;
	_ =	sdelay $0x1  }
.Ltmp0:
0x35: {  	v5 =	vbroadcast v4, $0x0;
	v4 =	vshrl.u32 v16, $0x10;
	(pc) =	sbr.rel @p0 .LBB2_2-.Ltmp0, $4  }
0x36: {  	v6 =	vmul.f32 v16, v16;
	v7 =	vmul.f32 v17, v17;
	v8 =	vshrl.u32 v17, $0x10  }
0x37: {  	v14 =	vadd.s32 v0, v5;
	v13 =	vadd.s32 v2, v5;
	v4 =	vand.u32 $0x1, v4  }
0x38: {  	v19 =	vshrl.u32 v15, $0x10;
	v6 =	vadd.f32 v7, v6;
	v7 =	vmul.f32 v15, v15  }
0x39: {  	s24 =	smov.u32 s26;
	s17 =	sadd.s32 $0x10, s17;
	s19 =	sadd.s32 $0x10, s19;
	v18 =	vadd.s32 v3, v5;
	v8 =	vand.u32 $0x1, v8;
	v5 =	vand.u32 $0x1, v19  }
0x3a: {  	v6 =	vadd.f32 v7, v6;
	v4 =	vadd.s32 v4, v16  }
0x3b: {  	v56 =	vadd.s32 v8, v17;
	v4 =	vadd.s32 $0x7FFF, v4  }
0x3c: {  	v5 =	vadd.s32 v5, v15;
	v7 =	vadd.s32 $0x7FFF, v56;
	[tilespmem:s23+$0x0] =	vst v6;
	v4 =	vand.u32 $0xFFFF0000, v4  }
0x3d: {  	v5 =	vadd.s32 $0x7FFF, v5;
	[tilespmem:s22+$0x0] =	vst v4;
	v4 =	vand.u32 $0xFFFF0000, v7  }
0x3e: {  	[tilespmem:s20+$0x0] =	vst v4;
	v4 =	vand.u32 $0xFFFF0000, v5  }
0x3f: {  	[tilespmem:s21+$0x0] =	vst v4  }
0x40: {  	v4 =	vld.idx.msk [tilespmem:v14+s12+$0x0], $0xffff  }
0x41: {  	v5 =	vld.idx.msk [tilespmem:v13+s12+$0x0], $0xffff;
	_ =	sdelay $0x1  }
0x42: {  	v6 =	vld.idx.msk [tilespmem:v18+s12+$0x0], $0xffff;
	_ =	sdelay $0x2  }
0x43: {  	v57 =	vmul.f32 v4, v4;
	v58 =	vmul.f32 v5, v5;
	_ =	sdelay $0x1  }
0x44: {  	v59 =	vshrl.u32 v4, $0x10;
	v60 =	vmul.f32 v6, v6;
	v7 =	vadd.f32 v58, v57  }
0x45: {  	v61 =	vshrl.u32 v5, $0x10;
	v62 =	vshrl.u32 v6, $0x10;
	v13 =	vand.u32 $0x1, v59  }
0x46: {  	v14 =	vand.u32 $0x1, v61;
	v4 =	vadd.s32 v13, v4;
	v7 =	vadd.f32 v60, v7  }
0x47: {  	s18 =	sadd.s32 $0x10, s18;
	v63 =	vand.u32 $0x1, v62;
	v5 =	vadd.s32 v14, v5;
	v4 =	vadd.s32 $0x7FFF, v4  }
0x48: {  	s16 =	sadd.s32 $0x10, s16;
	v6 =	vadd.s32 v63, v6;
	v5 =	vadd.s32 $0x7FFF, v5;
	v4 =	vand.u32 $0xFFFF0000, v4;
	[tilespmem:s18+$0x0] =	vst v7  }
0x49: {  	v6 =	vadd.s32 $0x7FFF, v6;
	[tilespmem:s16+$0x0] =	vst v4;
	v4 =	vand.u32 $0xFFFF0000, v5  }
0x4a: {  	[tilespmem:s17+$0x0] =	vst v4;
	v4 =	vand.u32 $0xFFFF0000, v6  }
0x4b: {  	s16 =	simm.s32 $0x0;
	s17 =	simm.s32 $0x0;
	[tilespmem:s19+$0x0] =	vst v4  }
.LBB2_4:
0x4c: {  	s19 =	sshll.u32 s17, $0x2  }
0x4d: {  	v4 =	vmov s19;
	_ =	sdelay $0x3  }
0x4e: {  	v5 =	vor.u32 $0x40, v4  }
0x4f: {  	v0 =	vld.idx.msk [tilespmem:v4+s16+$0x0], $0xffff;
	v4 =	vor.u32 $0x80, v4;
	_ =	sdelay $0x1  }
0x50: {  	s18 =	sor.u32 $0x1, s19  }
0x51: {  	v6 =	vmov s18  }
0x52: {  	v1 =	vld.idx.msk [tilespmem:v5+s16+$0x0], $0xffff  }
0x53: {  	v5 =	vshrl.u32 v0, $0x10;
	v2 =	vld.idx.msk [tilespmem:v4+s16+$0x0], $0xffff  }
0x54: {  	v4 =	vand.u32 $0x1, v5;
	v5 =	vor.u32 $0x40, v6  }
0x55: {  	v7 =	vor.u32 $0x80, v6;
	v4 =	vadd.s32 v4, v0  }
0x56: {  	s21 =	simm.s32 $0x0;
	[tilespmem:$0x1FE80] =	vst v0;
	v0 =	vld.idx.msk [tilespmem:v6+s16+$0x0], $0xffff;
	v4 =	vadd.s32 $0x7FFF, v4  }
0x57: {  	v51 =	vld [tilespmem:s21+$0x3130];
	v4 =	vand.u32 $0xFFFF0000, v4  }
0x58: {  	s19 =	sor.u32 $0x2, s19;
	v46 =	vld [tilespmem:s21+$0x4130];
	v22 =	vmul.f32 $-2.000000000e+00, v4;
	v4 =	vshrl.u32 v1, $0x10;
	v6 =	vshrl.u32 v2, $0x10  }
0x59: {  	v4 =	vand.u32 $0x1, v4;
	v9 =	vld.idx.msk [tilespmem:v5+s16+$0x0], $0xffff;
	v5 =	vmov s19;
	v6 =	vand.u32 $0x1, v6  }
0x5a: {  	[tilespmem:$0x1FE90] =	vst v1;
	v4 =	vadd.s32 v4, v1;
	v1 =	vld.idx.msk [tilespmem:v7+s16+$0x0], $0xffff;
	v7 =	vor.u32 $0x40, v5;
	v6 =	vadd.s32 v6, v2  }
0x5b: {  	v55 =	vld [tilespmem:s21+$0x3120];
	v8 =	vor.u32 $0x80, v5;
	v19 =	vshrl.u32 v0, $0x10;
	v4 =	vadd.s32 $0x7FFF, v4  }
0x5c: {  	v42 =	vld [tilespmem:s21+$0x3110];
	v43 =	vmul.f32 v51, v22;
	v6 =	vadd.s32 $0x7FFF, v6;
	v4 =	vand.u32 $0xFFFF0000, v4  }
0x5d: {  	s20 =	sshllo.u32 s17, $0x2;
	v48 =	vld [tilespmem:s21+$0x3100];
	v26 =	vmul.f32 $-2.000000000e+00, v4;
	v4 =	vand.u32 $0xFFFF0000, v6;
	v6 =	vand.u32 $0x1, v19  }
0x5e: {  	[tilespmem:$0x1FEB0] =	vst v0;
	v27 =	vmul.f32 $-2.000000000e+00, v4;
	v4 =	vadd.s32 v6, v0;
	v0 =	vld.idx.msk [tilespmem:v5+s16+$0x0], $0xffff;
	v5 =	vmov s20  }
0x5f: {  	v6 =	vshrl.u32 v9, $0x10;
	v20 =	vshrl.u32 v1, $0x10;
	v10 =	vld.idx.msk [tilespmem:v7+s16+$0x0], $0xffff;
	v7 =	vor.u32 $0x40, v5  }
0x60: {  	[tilespmem:$0x1FEA0] =	vst v2;
	v6 =	vand.u32 $0x1, v6;
	v2 =	vld.idx.msk [tilespmem:v8+s16+$0x0], $0xffff;
	v8 =	vor.u32 $0x80, v5;
	v4 =	vadd.s32 $0x7FFF, v4  }
0x61: {  	v23 =	vand.u32 $0x1, v20;
	v6 =	vadd.s32 v6, v9;
	v4 =	vand.u32 $0xFFFF0000, v4  }
0x62: {  	v45 =	vld [tilespmem:s21+$0x5110];
	v23 =	vadd.s32 v23, v1;
	v6 =	vadd.s32 $0x7FFF, v6;
	v28 =	vmul.f32 $-2.000000000e+00, v4  }
0x63: {  	v54 =	vld [tilespmem:s21+$0x4100];
	v47 =	vmul.f32 v46, v26;
	v23 =	vadd.s32 $0x7FFF, v23;
	v4 =	vand.u32 $0xFFFF0000, v6  }
0x64: {  	v31 =	vld [tilespmem:s21+$0x6130];
	v6 =	vand.u32 $0xFFFF0000, v23;
	v29 =	vmul.f32 $-2.000000000e+00, v4;
	v49 =	vmul.f32 v42, v28  }
0x65: {  	[tilespmem:$0x1FED0] =	vst v1;
	v1 =	vld.idx.msk [tilespmem:v5+s16+$0x0], $0xffff;
	v4 =	vshrl.u32 v0, $0x10;
	v57 =	vmul.f32 v55, v28;
	v15 =	vmul.f32 v48, v28  }
0x66: {  	v30 =	vmul.f32 $-2.000000000e+00, v6;
	v11 =	vld.idx.msk [tilespmem:v7+s16+$0x0], $0xffff;
	v4 =	vand.u32 $0x1, v4;
	v5 =	vshrl.u32 v10, $0x10  }
0x67: {  	[tilespmem:$0x1FEC0] =	vst v9;
	v6 =	vshrl.u32 v2, $0x10;
	v9 =	vld.idx.msk [tilespmem:v8+s16+$0x0], $0xffff;
	v4 =	vadd.s32 v4, v0;
	v5 =	vand.u32 $0x1, v5  }
0x68: {  	v8 =	vld [tilespmem:s21+$0x4120];
	v6 =	vand.u32 $0x1, v6;
	v19 =	vmul.f32 v54, v29;
	v4 =	vadd.s32 $0x7FFF, v4  }
0x69: {  	v7 =	vld [tilespmem:s21+$0x5120];
	v5 =	vadd.s32 v5, v10;
	v6 =	vadd.s32 v6, v2;
	v50 =	vmul.f32 v45, v30  }
0x6a: {  	v4 =	vand.u32 $0xFFFF0000, v4;
	v5 =	vadd.s32 $0x7FFF, v5;
	v6 =	vadd.s32 $0x7FFF, v6  }
0x6b: {  	v32 =	vmul.f32 $-2.000000000e+00, v4;
	v4 =	vand.u32 $0xFFFF0000, v5;
	v5 =	vand.u32 $0xFFFF0000, v6  }
0x6c: {  	v43 =	vadd.f32 v31, v43;
	v34 =	vmul.f32 $-2.000000000e+00, v4;
	v33 =	vmul.f32 $-2.000000000e+00, v5  }
0x6d: {  	v4 =	vshrl.u32 v1, $0x10;
	v6 =	vshrl.u32 v11, $0x10;
	v41 =	vmul.f32 v8, v26  }
0x6e: {  	v35 =	vshrl.u32 v9, $0x10;
	v40 =	vmul.f32 v7, v30;
	v14 =	vmul.f32 v8, v29  }
0x6f: {  	v4 =	vand.u32 $0x1, v4;
	v6 =	vand.u32 $0x1, v6;
	v35 =	vand.u32 $0x1, v35  }
0x70: {  	v44 =	vld [tilespmem:s21+$0x6120];
	v12 =	vmul.f32 v48, v32;
	v63 =	vmul.f32 v42, v32;
	v4 =	vadd.s32 v4, v1  }
0x71: {  	v56 =	vld [tilespmem:s21+$0x6100];
	v6 =	vadd.s32 v6, v11;
	v35 =	vadd.s32 v35, v9;
	v4 =	vadd.s32 $0x7FFF, v4  }
0x72: {  	v5 =	vld [tilespmem:s21+$0x5100];
	v6 =	vadd.s32 $0x7FFF, v6;
	v36 =	vadd.s32 $0x7FFF, v35;
	v4 =	vand.u32 $0xFFFF0000, v4  }
0x73: {  	v35 =	vmul.f32 $-2.000000000e+00, v4;
	v4 =	vand.u32 $0xFFFF0000, v6;
	v6 =	vand.u32 $0xFFFF0000, v36  }
0x74: {  	v62 =	vmul.f32 v8, v34;
	v38 =	vmul.f32 $-2.000000000e+00, v6;
	v6 =	vld [tilespmem:s21+$0x4110]  }
0x75: {  	v47 =	vadd.f32 v43, v47;
	v39 =	vmul.f32 v7, v33;
	v37 =	vmul.f32 $-2.000000000e+00, v4;
	v4 =	vld [tilespmem:s21+$0x6110]  }
0x76: {  	v53 =	vmul.f32 v54, v34;
	v43 =	vadd.f32 v56, v12;
	v36 =	vmul.f32 v7, v27  }
0x77: {  	v13 =	vadd.f32 v44, v57;
	v52 =	vmul.f32 v5, v30;
	v61 =	vmul.f32 v48, v35  }
0x78: {  	[tilespmem:$0x1FF30] =	vst v9;
	v9 =	vadd.f32 v43, v53;
	v57 =	vmul.f32 v55, v35;
	v17 =	vmul.f32 v54, v37  }
0x79: {  	v43 =	vmul.f32 v46, v37;
	v16 =	vadd.f32 v56, v61;
	v58 =	vmul.f32 v6, v29  }
0x7a: {  	v59 =	vadd.f32 v4, v49;
	v60 =	vmul.f32 v6, v34;
	v49 =	vadd.f32 v13, v14  }
0x7b: {  	v18 =	vadd.f32 v4, v63;
	v12 =	vadd.f32 v16, v17;
	v13 =	vmul.f32 v42, v35  }
0x7c: {  	v14 =	vadd.f32 v56, v15;
	v16 =	vmul.f32 v45, v33;
	v42 =	vmul.f32 v42, v22  }
0x7d: {  	v63 =	vmul.f32 v55, v22;
	v59 =	vadd.f32 v59, v58;
	v15 =	vadd.f32 v18, v60  }
0x7e: {  	[tilespmem:$0x1FEF0] =	vst v10;
	v17 =	vadd.f32 v4, v13;
	v10 =	vadd.f32 v14, v19;
	v18 =	vmul.f32 v6, v37  }
0x7f: {  	[tilespmem:$0x1FF20] =	vst v11;
	v11 =	vadd.f32 v4, v42;
	v4 =	vmul.f32 v5, v38;
	v19 =	vmul.f32 v48, v22  }
0x80: {  	v42 =	vmul.f32 v46, v34;
	v53 =	vadd.f32 v15, v16;
	v16 =	vadd.f32 v17, v18  }
0x81: {  	v48 =	vld [tilespmem:s21+$0x5130];
	v17 =	vmul.f32 v5, v27;
	v58 =	vadd.f32 v12, v4;
	v12 =	vadd.f32 v59, v50  }
0x82: {  	v4 =	vmul.f32 v45, v38;
	v56 =	vadd.f32 v56, v19;
	v18 =	vmul.f32 v51, v28  }
0x83: {  	v10 =	vadd.f32 v10, v52;
	v50 =	vmul.f32 v45, v27;
	v19 =	vmul.f32 v46, v29  }
0x84: {  	v52 =	vimm.f32 $+Inf;
	v46 =	vmul.f32 v8, v37;
	v59 =	vadd.f32 v31, v18  }
0x85: {  	v45 =	vmul.f32 v7, v38;
	v5 =	vmul.f32 v5, v33;
	v60 =	vadd.f32 v16, v4  }
0x86: {  	v4 =	vmul.f32 v54, v26;
	v8 =	vmul.f32 v48, v30;
	v7 =	vadd.f32 v59, v19  }
0x87: {  	p0 =	por $0x1, $0x1;
	v6 =	vmul.f32 v6, v26;
	v5 =	vadd.f32 v9, v5;
	v9 =	vmin.f32 v52, v10  }
.Ltmp1:
0x88: {  	v4 =	vadd.f32 v56, v4;
	v56 =	vadd.f32 v7, v8;
	v7 =	vmul.f32 v55, v32;
	(pc) =	sbr.rel @!p0 .LBB2_6-.Ltmp1, $4  }
0x89: {  	v6 =	vadd.f32 v11, v6;
	v54 =	vimm.f32 $+Inf;
	v61 =	vmin.f32 v9, v12  }
0x8a: {  	[tilespmem:$0x1FEE0] =	vst v0;
	v59 =	vmul.f32 v51, v32;
	v4 =	vadd.f32 v4, v17;
	v10 =	vadd.f32 v44, v7  }
0x8b: {  	[tilespmem:$0x1FF00] =	vst v2;
	v55 =	vmul.f32 v48, v38;
	v8 =	vmul.f32 v48, v27;
	v7 =	vadd.f32 v44, v63  }
0x8c: {  	[tilespmem:$0x1FF10] =	vst v1;
	s21 =	simm.s32 $0x100;
	v63 =	vmul.f32 v51, v35;
	v51 =	vimm.f32 $+Inf;
	v62 =	vadd.f32 v10, v62  }
.LBB2_5:
0x8d: {  	s22 =	sshra.s32 s21, $0x2;
	p0 =	sne.s32 s21, $0x3F00;
	s21 =	sadd.s32 $0x100, s21;
	v7 =	vadd.f32 v7, v41;
	v8 =	vadd.f32 v47, v8;
	v9 =	vmul.f32 v48, v33  }
0x8e: {  	v5 =	vmin.f32 v52, v5;
	v11 =	vmin.f32 v54, v58;
	v10 =	vld [tilespmem:s22+$0x5120];
	v6 =	vadd.f32 v6, v50  }
0x8f: {  	v4 =	vmin.f32 v51, v4;
	v40 =	vadd.f32 v49, v40;
	v11 =	vmin.f32 v11, v60;
	v12 =	vld [tilespmem:s22+$0x4120]  }
0x90: {  	v41 =	vadd.f32 v31, v63;
	v47 =	vld [tilespmem:s22+$0x5110];
	v4 =	vmin.f32 v4, v6;
	v6 =	vadd.f32 v44, v57  }
0x91: {  	v5 =	vmin.f32 v5, v53;
	v7 =	vadd.f32 v7, v36;
	v44 =	vadd.f32 v31, v59;
	v31 =	vld [tilespmem:s22+$0x6130]  }
0x92: {  	v39 =	vadd.f32 v62, v39;
	v40 =	vmin.f32 v61, v40;
	v49 =	vld [tilespmem:s22+$0x5100];
	v6 =	vadd.f32 v6, v46  }
0x93: {  	v4 =	vmin.f32 v4, v7;
	v7 =	vadd.f32 v41, v43;
	v36 =	vmul.f32 v10, v27;
	v58 =	vld [tilespmem:s22+$0x4130]  }
0x94: {  	v56 =	vmin.f32 v40, v56;
	v41 =	vmul.f32 v12, v26;
	v61 =	vld [tilespmem:s22+$0x3130];
	v6 =	vadd.f32 v6, v45  }
0x95: {  	v5 =	vmin.f32 v5, v39;
	v40 =	vmul.f32 v10, v30;
	v7 =	vadd.f32 v7, v55;
	v60 =	vld [tilespmem:s22+$0x4100]  }
0x96: {  	v51 =	vmin.f32 v4, v8;
	v62 =	vmul.f32 v12, v34;
	v55 =	vmul.f32 v47, v30;
	v53 =	vld [tilespmem:s22+$0x3120]  }
0x97: {  	v44 =	vadd.f32 v44, v42;
	v39 =	vmul.f32 v10, v33;
	v4 =	vmul.f32 v49, v30;
	v8 =	vld [tilespmem:s22+$0x3110]  }
0x98: {  	v6 =	vmin.f32 v11, v6;
	v59 =	vld [tilespmem:s22+$0x6110];
	v57 =	vmul.f32 v58, v26;
	v43 =	vmul.f32 v58, v37  }
0x99: {  	v9 =	vadd.f32 v44, v9;
	v11 =	vmul.f32 v49, v27;
	v42 =	vmul.f32 v58, v34;
	v63 =	vld [tilespmem:s22+$0x4110]  }
0x9a: {  	v13 =	vmul.f32 v47, v33;
	v54 =	vmin.f32 v6, v7;
	v45 =	vmul.f32 v61, v22;
	v1 =	vld [tilespmem:s22+$0x3100]  }
0x9b: {  	v52 =	vmin.f32 v5, v9;
	v7 =	vmul.f32 v47, v38;
	v6 =	vmul.f32 v60, v34;
	v48 =	vld [tilespmem:s22+$0x5130]  }
0x9c: {  	v50 =	vmul.f32 v47, v27;
	v9 =	vmul.f32 v61, v28;
	v5 =	vadd.f32 v31, v45;
	v44 =	vld [tilespmem:s22+$0x6120]  }
0x9d: {  	v46 =	vmul.f32 v12, v37;
	v15 =	vmul.f32 v49, v38;
	v14 =	vld [tilespmem:s22+$0x6100]  }
0x9e: {  	v9 =	vadd.f32 v31, v9;
	v16 =	vmul.f32 v8, v28;
	v17 =	vmul.f32 v63, v29  }
0x9f: {  	v18 =	vmul.f32 v53, v28;
	v45 =	vmul.f32 v10, v38;
	v47 =	vadd.f32 v5, v57  }
0xa0: {  	v5 =	vadd.f32 v59, v16;
	v10 =	vmul.f32 v63, v34;
	v16 =	vmul.f32 v53, v22  }
0xa1: {  	v19 =	vmul.f32 v49, v33;
	v49 =	vmul.f32 v8, v32;
	v18 =	vadd.f32 v44, v18  }
0xa2: {  	v12 =	vmul.f32 v12, v29;
	v57 =	vmul.f32 v1, v32  }
0xa3: {  	v21 =	vadd.f32 v59, v49;
	v20 =	vmul.f32 v1, v22;
	v23 =	vmul.f32 v48, v30  }
0xa4: {  	v24 =	vmul.f32 v60, v29;
	v25 =	vmul.f32 v1, v35;
	v57 =	vadd.f32 v14, v57  }
0xa5: {  	v0 =	vmul.f32 v8, v35;
	v1 =	vmul.f32 v1, v28;
	v49 =	vadd.f32 v18, v12  }
0xa6: {  	v12 =	vadd.f32 v14, v25;
	v18 =	vmul.f32 v60, v37;
	v6 =	vadd.f32 v57, v6  }
0xa7: {  	v0 =	vadd.f32 v59, v0;
	v1 =	vadd.f32 v14, v1;
	v25 =	vmul.f32 v63, v37  }
0xa8: {  	v8 =	vmul.f32 v8, v22;
	v2 =	vmul.f32 v63, v26;
	v5 =	vadd.f32 v5, v17  }
0xa9: {  	v10 =	vadd.f32 v21, v10;
	v57 =	vmul.f32 v53, v35;
	v12 =	vadd.f32 v12, v18  }
0xaa: {  	v17 =	vadd.f32 v59, v8;
	v8 =	vmul.f32 v53, v32;
	v1 =	vadd.f32 v1, v24  }
0xab: {  	v53 =	vadd.f32 v10, v13;
	v10 =	vmul.f32 v58, v29;
	v0 =	vadd.f32 v0, v25  }
0xac: {  	v59 =	vmul.f32 v61, v32;
	v58 =	vadd.f32 v12, v15;
	v12 =	vadd.f32 v5, v55  }
0xad: {  	v13 =	vmul.f32 v60, v26;
	v1 =	vadd.f32 v1, v4;
	v5 =	vadd.f32 v14, v20  }
.Ltmp2:
0xae: {  	v60 =	vadd.f32 v0, v7;
	v0 =	vadd.f32 v9, v10;
	v55 =	vmul.f32 v48, v38;
	(pc) =	sbr.rel @p0 .LBB2_5-.Ltmp2, $4  }
0xaf: {  	v9 =	vadd.f32 v44, v8;
	v1 =	vmin.f32 v56, v1;
	v4 =	vadd.f32 v5, v13  }
0xb0: {  	v63 =	vmul.f32 v61, v35;
	v7 =	vadd.f32 v44, v16;
	v56 =	vadd.f32 v0, v23  }
0xb1: {  	v8 =	vmul.f32 v48, v27;
	v5 =	vadd.f32 v6, v19;
	v4 =	vadd.f32 v4, v11  }
0xb2: {  	v6 =	vadd.f32 v17, v2;
	v61 =	vmin.f32 v1, v12;
	v62 =	vadd.f32 v9, v62  }
.LBB2_6:
0xb3: {  	v12 =	vld [tilespmem:$0x1FEB0]  }
0xb4: {  	v0 =	vadd.f32 v7, v41;
	v9 =	vadd.f32 v44, v57;
	v57 =	vld [tilespmem:$0x1FEC0]  }
0xb5: {  	v4 =	vmin.f32 v51, v4;
	v51 =	vadd.f32 v49, v40;
	v13 =	vld [tilespmem:$0x1FED0];
	v10 =	vadd.f32 v31, v63  }
0xb6: {  	v1 =	vadd.f32 v47, v8;
	v2 =	vmul.f32 v48, v33;
	v48 =	vmin.f32 v54, v58;
	v58 =	vld [tilespmem:$0x1FEE0]  }
0xb7: {  	v14 =	vld [tilespmem:$0x1FEF0];
	v6 =	vadd.f32 v6, v50;
	v8 =	vmin.f32 v61, v51;
	v10 =	vadd.f32 v10, v43  }
0xb8: {  	v5 =	vmin.f32 v52, v5;
	v0 =	vadd.f32 v0, v36;
	v8 =	vmin.f32 v8, v56;
	v56 =	vld [tilespmem:$0x1FE90]  }
0xb9: {  	v52 =	vadd.f32 v31, v59;
	v4 =	vmin.f32 v4, v6;
	v54 =	vadd.f32 v10, v55;
	v55 =	vld [tilespmem:$0x1FE80]  }
0xba: {  	v59 =	vld [tilespmem:$0x1FF10];
	v0 =	vmin.f32 v4, v0  }
0xbb: {  	v7 =	vmin.f32 v48, v60;
	v6 =	vadd.f32 v52, v42;
	v0 =	vmin.f32 v0, v1;
	v1 =	vld [tilespmem:$0x1FEA0]  }
0xbc: {  	v15 =	vld [tilespmem:$0x1FF20];
	v5 =	vmin.f32 v5, v53;
	v11 =	vadd.f32 v62, v39;
	v9 =	vadd.f32 v9, v46  }
0xbd: {  	v61 =	vld [tilespmem:$0x1FF00];
	v12 =	vmul.f32 v12, v12;
	v2 =	vadd.f32 v6, v2;
	v6 =	vmul.f32 v57, v57  }
0xbe: {  	v62 =	vld [tilespmem:$0x1FF30];
	v5 =	vmin.f32 v5, v11;
	v11 =	vmul.f32 v56, v56;
	v10 =	vmul.f32 v55, v55  }
0xbf: {  	v4 =	vadd.f32 v9, v45;
	v13 =	vmul.f32 v13, v13;
	v14 =	vmul.f32 v14, v14  }
0xc0: {  	v1 =	vmul.f32 v1, v1;
	v10 =	vadd.f32 v11, v10;
	v11 =	vmul.f32 v58, v58  }
0xc1: {  	v15 =	vmul.f32 v15, v15;
	v6 =	vadd.f32 v6, v12;
	v12 =	vmul.f32 v59, v59  }
0xc2: {  	v1 =	vadd.f32 v1, v10;
	v60 =	vadd.f32 v14, v11;
	v11 =	vmul.f32 v61, v61  }
0xc3: {  	s21 =	sshll.u32 s17, $0x6;
	s17 =	sadd.s32 $0x1, s17;
	v6 =	vadd.f32 v13, v6;
	v12 =	vadd.f32 v15, v12;
	v13 =	vmul.f32 v62, v62  }
0xc4: {  	p0 =	sne.s32 s17, $0x10;
	v4 =	vmin.f32 v7, v4;
	v63 =	vadd.f32 v11, v60;
	v0 =	vadd.f32 v0, v1  }
.Ltmp3:
0xc5: {  	s18 =	sshll.u32 s18, $0x4;
	s21 =	sand.u32 $0x3FFFFFC0, s21;
	v1 =	vmin.f32 v5, v2;
	v2 =	vadd.f32 v13, v12;
	v5 =	vadd.f32 v8, v6;
	(pc) =	sbr.rel @p0 .LBB2_4-.Ltmp3, $4  }
0xc6: {  	s19 =	sshll.u32 s19, $0x4;
	s18 =	sand.u32 $0x3FFFFFF0, s18;
	v4 =	vmin.f32 v4, v54;
	[tilespmem:s21+$0x7100] =	vst v0;
	v0 =	vadd.f32 v1, v63  }
0xc7: {  	s30 =	sshll.u32 s20, $0x4;
	s29 =	sand.u32 $0x3FFFFFF0, s19;
	v1 =	vadd.f32 v4, v2;
	[tilespmem:s18+$0x7100] =	vst v5  }
0xc8: {  	s31 =	sand.u32 $0x3FFFFFF0, s30;
	[tilespmem:s29+$0x7100] =	vst v0  }
0xc9: {  	[tilespmem:s31+$0x7100] =	vst v1  }
0xca: {  	v12 =	vld [tilespmem:$0x1FFC0]  }
0xcb: {  	v1 =	vld [tilespmem:$0x1FF40]  }
0xcc: {  	v2 =	vld [tilespmem:$0x1FF50]  }
0xcd: {  	v4 =	vld [tilespmem:$0x1FF60]  }
0xce: {  	v5 =	vld [tilespmem:$0x1FF70];
	_ =	sdelay $0x3  }
0xcf: {  	v0 =	vld.idx.msk [tilespmem:v12+s13+$0x0], $0xffff  }
0xd0: {  	v1 =	vld.idx.msk [tilespmem:v1+s13+$0x0], $0xffff  }
0xd1: {  	v2 =	vld.idx.msk [tilespmem:v2+s13+$0x0], $0xffff  }
0xd2: {  	v4 =	vld.idx.msk [tilespmem:v4+s13+$0x0], $0xffff  }
0xd3: {  	v5 =	vld.idx.msk [tilespmem:v5+s13+$0x0], $0xffff  }
0xd4: {  	v6 =	vld [tilespmem:$0x1FF80]  }
0xd5: {  	v0 =	vmin.f32 v0, v1;
	v1 =	vld [tilespmem:$0x1FF90]  }
0xd6: {  	v0 =	vmin.f32 v0, v2;
	v2 =	vld [tilespmem:$0x1FFA0]  }
0xd7: {  	v0 =	vmin.f32 v0, v4;
	v4 =	vld [tilespmem:$0x1FFB0]  }
0xd8: {  	v0 =	vmin.f32 v0, v5;
	v5 =	vld [tilespmem:$0x1FFD0];
	_ =	sdelay $0x3  }
0xd9: {  	v7 =	vor.u32 $0xA, v12;
	v6 =	vld.idx.msk [tilespmem:v6+s13+$0x0], $0xffff  }
0xda: {  	v8 =	vor.u32 $0xB, v12;
	v1 =	vld.idx.msk [tilespmem:v1+s13+$0x0], $0xffff  }
0xdb: {  	v9 =	vor.u32 $0xC, v12;
	v2 =	vld.idx.msk [tilespmem:v2+s13+$0x0], $0xffff  }
0xdc: {  	v10 =	vor.u32 $0xD, v12;
	v4 =	vld.idx.msk [tilespmem:v4+s13+$0x0], $0xffff  }
0xdd: {  	v11 =	vor.u32 $0xE, v12;
	v5 =	vld.idx.msk [tilespmem:v5+s13+$0x0], $0xffff  }
0xde: {  	v23 =	vor.u32 $0xF, v12;
	v22 =	vld.idx.msk [tilespmem:v7+s13+$0x0], $0xffff;
	v0 =	vmin.f32 v0, v6  }
0xdf: {  	v0 =	vmin.f32 v0, v1;
	v1 =	vld.idx.msk [tilespmem:v8+s13+$0x0], $0xffff  }
0xe0: {  	v0 =	vmin.f32 v0, v2;
	v2 =	vld.idx.msk [tilespmem:v9+s13+$0x0], $0xffff  }
0xe1: {  	v0 =	vmin.f32 v0, v4;
	v4 =	vld.idx.msk [tilespmem:v10+s13+$0x0], $0xffff  }
0xe2: {  	v0 =	vmin.f32 v0, v5;
	v5 =	vld.idx.msk [tilespmem:v11+s13+$0x0], $0xffff  }
0xe3: {  	v24 =	vld.idx.msk [tilespmem:v23+s13+$0x0], $0xffff;
	v0 =	vmin.f32 v0, v22  }
0xe4: {  	v0 =	vmin.f32 v0, v1  }
0xe5: {  	v1 =	vor.u32 $0x100, v12;
	v0 =	vmin.f32 v0, v2  }
0xe6: {  	v2 =	vor.u32 $0x101, v12;
	v0 =	vmin.f32 v0, v4  }
0xe7: {  	v4 =	vor.u32 $0x102, v12;
	v0 =	vmin.f32 v0, v5  }
0xe8: {  	v5 =	vor.u32 $0x103, v12;
	v0 =	vmin.f32 v0, v24  }
0xe9: {  	[tilespmem:$0x7500] =	vst v0;
	v0 =	vor.u32 $0x104, v12  }
0xea: {  	v25 =	vor.u32 $0x105, v12;
	v1 =	vld.idx.msk [tilespmem:v1+s13+$0x0], $0xffff  }
0xeb: {  	v26 =	vor.u32 $0x106, v12;
	v2 =	vld.idx.msk [tilespmem:v2+s13+$0x0], $0xffff  }
0xec: {  	v27 =	vor.u32 $0x107, v12;
	v4 =	vld.idx.msk [tilespmem:v4+s13+$0x0], $0xffff  }
0xed: {  	v28 =	vor.u32 $0x108, v12;
	v5 =	vld.idx.msk [tilespmem:v5+s13+$0x0], $0xffff  }
0xee: {  	v29 =	vor.u32 $0x109, v12;
	v0 =	vld.idx.msk [tilespmem:v0+s13+$0x0], $0xffff  }
0xef: {  	v30 =	vor.u32 $0x10A, v12;
	v6 =	vld.idx.msk [tilespmem:v25+s13+$0x0], $0xffff  }
0xf0: {  	v31 =	vor.u32 $0x10B, v12;
	v1 =	vmin.f32 v1, v2;
	v2 =	vld.idx.msk [tilespmem:v26+s13+$0x0], $0xffff  }
0xf1: {  	v32 =	vor.u32 $0x10C, v12;
	v1 =	vmin.f32 v1, v4;
	v4 =	vld.idx.msk [tilespmem:v27+s13+$0x0], $0xffff  }
0xf2: {  	v33 =	vor.u32 $0x10D, v12;
	v1 =	vmin.f32 v1, v5;
	v5 =	vld.idx.msk [tilespmem:v28+s13+$0x0], $0xffff  }
0xf3: {  	v34 =	vor.u32 $0x10E, v12;
	v0 =	vmin.f32 v1, v0;
	v1 =	vld.idx.msk [tilespmem:v29+s13+$0x0], $0xffff  }
0xf4: {  	v36 =	vor.u32 $0x10F, v12;
	v35 =	vld.idx.msk [tilespmem:v30+s13+$0x0], $0xffff;
	v0 =	vmin.f32 v0, v6  }
0xf5: {  	v0 =	vmin.f32 v0, v2;
	v2 =	vld.idx.msk [tilespmem:v31+s13+$0x0], $0xffff  }
0xf6: {  	v0 =	vmin.f32 v0, v4;
	v4 =	vld.idx.msk [tilespmem:v32+s13+$0x0], $0xffff  }
0xf7: {  	v0 =	vmin.f32 v0, v5;
	v5 =	vld.idx.msk [tilespmem:v33+s13+$0x0], $0xffff  }
0xf8: {  	v0 =	vmin.f32 v0, v1;
	v1 =	vld.idx.msk [tilespmem:v34+s13+$0x0], $0xffff  }
0xf9: {  	v37 =	vld.idx.msk [tilespmem:v36+s13+$0x0], $0xffff;
	v0 =	vmin.f32 v0, v35  }
0xfa: {  	v0 =	vmin.f32 v0, v2  }
0xfb: {  	v2 =	vor.u32 $0x200, v12;
	v0 =	vmin.f32 v0, v4  }
0xfc: {  	v4 =	vor.u32 $0x201, v12;
	v0 =	vmin.f32 v0, v5  }
0xfd: {  	v0 =	vmin.f32 v0, v1;
	v1 =	vor.u32 $0x202, v12  }
0xfe: {  	v5 =	vor.u32 $0x203, v12;
	v0 =	vmin.f32 v0, v37  }
0xff: {  	[tilespmem:$0x7510] =	vst v0;
	v0 =	vor.u32 $0x204, v12  }
0x100: {  	v38 =	vor.u32 $0x205, v12;
	v2 =	vld.idx.msk [tilespmem:v2+s13+$0x0], $0xffff  }
0x101: {  	v39 =	vor.u32 $0x206, v12;
	v4 =	vld.idx.msk [tilespmem:v4+s13+$0x0], $0xffff  }
0x102: {  	v40 =	vor.u32 $0x207, v12;
	v1 =	vld.idx.msk [tilespmem:v1+s13+$0x0], $0xffff  }
0x103: {  	v41 =	vor.u32 $0x208, v12;
	v5 =	vld.idx.msk [tilespmem:v5+s13+$0x0], $0xffff  }
0x104: {  	v42 =	vor.u32 $0x209, v12;
	v0 =	vld.idx.msk [tilespmem:v0+s13+$0x0], $0xffff  }
0x105: {  	v43 =	vor.u32 $0x20A, v12;
	v6 =	vld.idx.msk [tilespmem:v38+s13+$0x0], $0xffff  }
0x106: {  	v44 =	vor.u32 $0x20B, v12;
	v2 =	vmin.f32 v2, v4;
	v4 =	vld.idx.msk [tilespmem:v39+s13+$0x0], $0xffff  }
0x107: {  	v45 =	vor.u32 $0x20C, v12;
	v1 =	vmin.f32 v2, v1;
	v2 =	vld.idx.msk [tilespmem:v40+s13+$0x0], $0xffff  }
0x108: {  	v46 =	vor.u32 $0x20D, v12;
	v1 =	vmin.f32 v1, v5;
	v5 =	vld.idx.msk [tilespmem:v41+s13+$0x0], $0xffff  }
0x109: {  	v47 =	vor.u32 $0x20E, v12;
	v0 =	vmin.f32 v1, v0;
	v1 =	vld.idx.msk [tilespmem:v42+s13+$0x0], $0xffff  }
0x10a: {  	v49 =	vor.u32 $0x20F, v12;
	v48 =	vld.idx.msk [tilespmem:v43+s13+$0x0], $0xffff;
	v0 =	vmin.f32 v0, v6  }
0x10b: {  	v0 =	vmin.f32 v0, v4;
	v4 =	vld.idx.msk [tilespmem:v44+s13+$0x0], $0xffff  }
0x10c: {  	v0 =	vmin.f32 v0, v2;
	v2 =	vld.idx.msk [tilespmem:v45+s13+$0x0], $0xffff  }
0x10d: {  	v0 =	vmin.f32 v0, v5;
	v5 =	vld.idx.msk [tilespmem:v46+s13+$0x0], $0xffff  }
0x10e: {  	v0 =	vmin.f32 v0, v1;
	v1 =	vld.idx.msk [tilespmem:v47+s13+$0x0], $0xffff  }
0x10f: {  	v50 =	vld.idx.msk [tilespmem:v49+s13+$0x0], $0xffff;
	v0 =	vmin.f32 v0, v48  }
0x110: {  	v0 =	vmin.f32 v0, v4  }
0x111: {  	v0 =	vmin.f32 v0, v2;
	v2 =	vor.u32 $0x300, v12  }
0x112: {  	v4 =	vor.u32 $0x301, v12;
	v0 =	vmin.f32 v0, v5  }
0x113: {  	v0 =	vmin.f32 v0, v1;
	v1 =	vor.u32 $0x302, v12  }
0x114: {  	v5 =	vor.u32 $0x303, v12;
	v0 =	vmin.f32 v0, v50  }
0x115: {  	[tilespmem:$0x7520] =	vst v0;
	v0 =	vor.u32 $0x304, v12  }
0x116: {  	v51 =	vor.u32 $0x305, v12;
	v2 =	vld.idx.msk [tilespmem:v2+s13+$0x0], $0xffff  }
0x117: {  	v52 =	vor.u32 $0x306, v12;
	v4 =	vld.idx.msk [tilespmem:v4+s13+$0x0], $0xffff  }
0x118: {  	v53 =	vor.u32 $0x307, v12;
	v1 =	vld.idx.msk [tilespmem:v1+s13+$0x0], $0xffff  }
0x119: {  	v54 =	vor.u32 $0x308, v12;
	v5 =	vld.idx.msk [tilespmem:v5+s13+$0x0], $0xffff  }
0x11a: {  	v55 =	vor.u32 $0x309, v12;
	v0 =	vld.idx.msk [tilespmem:v0+s13+$0x0], $0xffff  }
0x11b: {  	v56 =	vor.u32 $0x30A, v12;
	v6 =	vld.idx.msk [tilespmem:v51+s13+$0x0], $0xffff  }
0x11c: {  	v57 =	vor.u32 $0x30B, v12;
	v2 =	vmin.f32 v2, v4;
	v4 =	vld.idx.msk [tilespmem:v52+s13+$0x0], $0xffff  }
0x11d: {  	v58 =	vor.u32 $0x30C, v12;
	v1 =	vmin.f32 v2, v1;
	v2 =	vld.idx.msk [tilespmem:v53+s13+$0x0], $0xffff  }
0x11e: {  	v59 =	vor.u32 $0x30D, v12;
	v1 =	vmin.f32 v1, v5;
	v5 =	vld.idx.msk [tilespmem:v54+s13+$0x0], $0xffff  }
0x11f: {  	v60 =	vor.u32 $0x30E, v12;
	v0 =	vmin.f32 v1, v0;
	v1 =	vld.idx.msk [tilespmem:v55+s13+$0x0], $0xffff  }
0x120: {  	v62 =	vor.u32 $0x30F, v12;
	v61 =	vld.idx.msk [tilespmem:v56+s13+$0x0], $0xffff;
	v0 =	vmin.f32 v0, v6  }
0x121: {  	v0 =	vmin.f32 v0, v4;
	v4 =	vld.idx.msk [tilespmem:v57+s13+$0x0], $0xffff  }
0x122: {  	v0 =	vmin.f32 v0, v2;
	v2 =	vld.idx.msk [tilespmem:v58+s13+$0x0], $0xffff  }
0x123: {  	v0 =	vmin.f32 v0, v5;
	v5 =	vld.idx.msk [tilespmem:v59+s13+$0x0], $0xffff  }
0x124: {  	v0 =	vmin.f32 v0, v1;
	v1 =	vld.idx.msk [tilespmem:v60+s13+$0x0], $0xffff  }
0x125: {  	v63 =	vld.idx.msk [tilespmem:v62+s13+$0x0], $0xffff;
	v0 =	vmin.f32 v0, v61  }
0x126: {  	v0 =	vmin.f32 v0, v4  }
0x127: {  	v0 =	vmin.f32 v0, v2  }
0x128: {  	v0 =	vmin.f32 v0, v5  }
0x129: {  	s15 =	sadd.s32 $0x1, s15;
	v0 =	vmin.f32 v0, v1  }
0x12a: {  	p0 =	sne.s32 s15, s8;
	v0 =	vmin.f32 v0, v63  }
.Ltmp4:
0x12b: {  	[tilespmem:$0x7530] =	vst v0;
	(pc) =	sbr.rel @p0 .LBB2_1-.Ltmp4, $4  }
0x12c: {  	[hbm4b:s7+s3] =	stream.linear.scatter [tilespmem:s14], [sflag:$0x1], $0x80, $0x38;
	[tilespmem:$0x7580] =	vst v63  }
0x12d: {  	_ =	swait.ge [sflag:s9], $0x80  }
0x12e: {  	[sflag:s9] =	ssyncset.done $0x0;
	v0 =	vld [tilespmem:$0x1FFE0]  }
0x12f: {  	v2 =	vld [tilespmem:$0x1FFF0];
	[sflag:s9] =	ssyncadd.s32 $0xFFFFFF80  }
0x130: {  	_ =	sfence.sel $0x180000  }
0x131: {  	[bflag:$0x0] =	sbarrier.arrive $0xFFFF  }
0x132: {  	p0 =	sne.s32 s2, $0x0;
	_ =	strace $0x90000047  }
0x133: {  	s0 =	sadd.s32 @!p0 $0x100000, s0;
	[bflag:$0x2] =	sbarrier.arrive $0xFFFF  }
0x134: {  	[sflag:s0] =	ssyncadd.tile.s32 @!p0 $0x1;
	_ =	shalt  }
.Lfunc_end2:
_tile_overlayer_lowered:
.L_overlay_start_2:
0x135: {  	(tag) =	ssettag $0x2  }
0x136: {  	s0 =	rddreg [dreg:$0x0];
	s2 =	stileid.u32  }
0x137: {  	s1 =	rddreg [dreg:$0x1];
	p0 =	sne.s32 s2, $0x0  }
0x138: {  	s3 =	rddreg [dreg:$0x2];
	[bflag:$0x3] =	sbarrier.arrive $0xFFFF;
	s2 =	simm.s32 @!p0 $0x1C01  }
0x139: {  	[timem:s3], [sflag:s2] =	dma.local @!p0 [hbm:s0], s1  }
0x13a: {  	s0 =	simm.s32 @!p0 $0x1  }
0x13b: {  	_ =	swait.ge @!p0 [sflag:s0], s1  }
0x13c: {  	s1 =	ssub.s32 @!p0 $0x0, s1;
	[sflag:s0] =	ssyncset.done @!p0 $0x0  }
0x13d: {  	[sflag:s0] =	ssyncadd.s32 @!p0 s1  }
0x13e: {  	[bflag:$0x3] =	sbarrier.arrive $0xFFFF  }
0x13f: {  	_ =	shalt  }

</sc_bundles>
